<compile_context>
chip_gen: v7x
topology: tpu7x:2x2x1
jax: 0.10.2.dev20260603
libtpu: 0.0.44.dev20260713+nightly
codegen_flags: <defaults>
</compile_context>

<pallas_src>
import functools

import jax
import jax.numpy as jnp
from jax import lax
from jax.experimental import pallas as pl
from jax.experimental.pallas import tpu as pltpu
from jax.experimental.pallas import tpu_sc as plsc

EMB = 32
HID = 256
NA = 16384
VOCAB = 100000
NC = 2
NS = 16
NW = NC * NS
CH = 1024
NAE = NA + CH
HAND = 200
G = 2
BLK = NA // G


def _sc_gather(card_t, unit_t, enemy_t, cids, auids, eids, hids, uids):
    mesh = plsc.VectorSubcoreMesh(core_axis_name="c", subcore_axis_name="s")
    out_type = (
        jax.ShapeDtypeStruct((NW, NAE), jnp.float32),
        jax.ShapeDtypeStruct((NW, NAE), jnp.float32),
        jax.ShapeDtypeStruct((NW, NA), jnp.float32),
    )
    HC, HE = NAE // 2, NA // 2
    scratch = [
        pltpu.VMEM((VOCAB,), jnp.float32),
        pltpu.VMEM((NAE,), jnp.int32),
        pltpu.VMEM((HC,), jnp.float32),
        pltpu.SemaphoreType.DMA,
        pltpu.SemaphoreType.DMA,
        pltpu.SemaphoreType.DMA,
    ]

    @functools.partial(pl.kernel, out_type=out_type, mesh=mesh,
                       scratch_types=scratch,
                       compiler_params=pltpu.CompilerParams(
                           needs_layout_passes=False))
    def k(card_h, unit_h, enemy_h, cid_h, auid_h, eid_h, hid_h, uid_h,
          o_card, o_unit, o_enemy,
          row_v, idx_v, out_v, sem_row, sem_idx, sem_out):
        d = lax.axis_index("s") * NC + lax.axis_index("c")
        tables = [card_h, unit_h, enemy_h]
        outs = [o_card, o_unit, o_enemy]
        ids = [(cid_h, hid_h), (auid_h, uid_h), (eid_h, None)]
        halves = [HC, HC, HE]

        def issue_stage(t):
            return [pltpu.make_async_copy(tables[t].at[d], row_v, sem_row)]

        def issue_idx(t):
            main, pool = ids[t]
            hs = [pltpu.make_async_copy(main, idx_v.at[pl.ds(0, NA)],
                                        sem_idx)]
            if pool is not None:
                hs.append(pltpu.make_async_copy(
                    pool, idx_v.at[pl.ds(NA, HAND)], sem_idx))
            return hs

        def fix_tail():
            base = NA + HAND - (HAND % 16)
            v = idx_v[pl.ds(base, 16)]
            lane = lax.broadcasted_iota(jnp.int32, (16,), 0)
            idx_v[pl.ds(base, 16)] = jnp.where(lane >= (NA + HAND - base),
                                               0, v)
            for z in range((NAE - base - 16) // 16):
                idx_v[pl.ds(base + 16 + z * 16, 16)] = jnp.zeros((16,),
                                                                 jnp.int32)

        def gather_half(n16, idx_base):
            @plsc.parallel_loop(0, n16 * 16, step=16, unroll=16)
            def _(i):
                iv = idx_v[pl.ds(idx_base + i, 16)]
                out_v[pl.ds(i, 16)] = plsc.load_gather(row_v, [iv])

        h_row = issue_stage(0)
        for h in h_row:
            h.start()
        h_idx = issue_idx(0)
        for h in h_idx:
            h.start()
        h_out = None
        for t in range(3):
            for h in h_idx:
                h.wait()
            if ids[t][1] is not None:
                fix_tail()
            for h in h_row:
                h.wait()
            if h_out is not None:
                h_out.wait()
            half = halves[t]
            gather_half(half // 16, 0)
            pltpu.sync_copy(out_v.at[pl.ds(0, half)],
                            outs[t].at[d, pl.ds(0, half)])
            gather_half(half // 16, half)
            h_out = pltpu.make_async_copy(out_v.at[pl.ds(0, half)],
                                          outs[t].at[d, pl.ds(half, half)],
                                          sem_out)
            h_out.start()
            if t < 2:
                h_row = issue_stage(t + 1)
                for h in h_row:
                    h.start()
                h_idx = issue_idx(t + 1)
                for h in h_idx:
                    h.start()
        h_out.wait()

    return k(card_t, unit_t, enemy_t, cids, auids, eids, hids, uids)


def _tc_body(atid_ref, sid_ref, mode_ref, scal_ref,
             cardT_ref, unitT_ref, enemyT_ref, ascalT_ref,
             cardtail_ref, unittail_ref, wpool_ref,
             ate_ref, se_ref, me_ref,
             Ws_ref, bs_ref, Wa_ref, ba_ref, Wh1a_ref, Wh1b_ref, bh1_ref,
             Wh2_ref, bh2_ref, out_ref):
    f32 = jnp.float32
    c0 = (((0,), (0,)), ((), ()))
    c1 = (((1,), (0,)), ((), ()))

    mid = mode_ref[0, 0]
    moh = (lax.broadcasted_iota(jnp.int32, (16, 1), 0) == mid).astype(f32)
    mode_col = lax.dot_general(me_ref[...], moh, c0,
                               preferred_element_type=f32)
    hand_col = lax.dot_general(cardtail_ref[...], wpool_ref[...], c1,
                               preferred_element_type=f32)
    unit_col = lax.dot_general(unittail_ref[...], wpool_ref[...], c1,
                               preferred_element_type=f32)
    state_col = jnp.concatenate(
        [scal_ref[...], mode_col, hand_col, unit_col], axis=0)
    state_repr = jnp.tanh(
        lax.dot_general(Ws_ref[...], state_col, c0,
                        preferred_element_type=f32) + bs_ref[...])
    state_contrib = lax.dot_general(Wh1a_ref[...], state_repr, c0,
                                    preferred_element_type=f32)

    bf = jnp.bfloat16
    oh_a = (lax.broadcasted_iota(jnp.int32, (64, BLK), 0)
            == atid_ref[0]).astype(bf)
    oh_s = (lax.broadcasted_iota(jnp.int32, (64, BLK), 0)
            == sid_ref[0]).astype(bf)
    atypeT = lax.dot_general(ate_ref[...], oh_a, c0,
                             preferred_element_type=f32).astype(bf)
    srcT = lax.dot_general(se_ref[...], oh_s, c0,
                           preferred_element_type=f32).astype(bf)

    featT = jnp.concatenate(
        [atypeT, srcT, cardT_ref[...].astype(bf), unitT_ref[...].astype(bf),
         enemyT_ref[...].astype(bf), ascalT_ref[...].astype(bf)],
        axis=0)
    accT = lax.dot_general(Wa_ref[...], featT, c0,
                           preferred_element_type=f32)
    act_reprT = jnp.tanh(accT + ba_ref[...])

    hT = jnp.tanh(
        lax.dot_general(Wh1b_ref[...], act_reprT.astype(bf), c0,
                        preferred_element_type=f32)
        + state_contrib + bh1_ref[...])
    out_ref[...] = lax.dot_general(Wh2_ref[...].astype(bf), hT.astype(bf),
                                   c0,
                                   preferred_element_type=f32) + bh2_ref[...]


def _tc_mlp(atids, sids, mode_arr, scal_col, cardT, unitT, enemyT, ascalT,
            wpool, atype_emb, source_emb, mode_emb,
            W_state, bs_col, W_action, ba_col, W_h1a, W_h1b, bh1_col,
            W_h2, bh2_col):
    def full(x):
        return pl.BlockSpec(x.shape, lambda i: (0,) * x.ndim)

    TAIL = NA // CH
    specs = [
        pl.BlockSpec((1, 1, BLK), lambda i: (i, 0, 0)),
        pl.BlockSpec((1, 1, BLK), lambda i: (i, 0, 0)),
        pl.BlockSpec(memory_space=pltpu.SMEM),
        full(scal_col),
        pl.BlockSpec((EMB, BLK), lambda i: (0, i)),
        pl.BlockSpec((EMB, BLK), lambda i: (0, i)),
        pl.BlockSpec((EMB, BLK), lambda i: (0, i)),
        pl.BlockSpec((16, BLK), lambda i: (0, i)),
        pl.BlockSpec((EMB, CH), lambda i: (0, TAIL)),
        pl.BlockSpec((EMB, CH), lambda i: (0, TAIL)),
        full(wpool),
        full(atype_emb), full(source_emb), full(mode_emb),
        full(W_state), full(bs_col), full(W_action), full(ba_col),
        full(W_h1a), full(W_h1b), full(bh1_col), full(W_h2), full(bh2_col),
    ]
    return pl.pallas_call(
        _tc_body,
        grid=(G,),
        in_specs=specs,
        out_specs=pl.BlockSpec((1, BLK), lambda i: (0, i)),
        out_shape=jax.ShapeDtypeStruct((1, NA), jnp.float32),
        compiler_params=pltpu.CompilerParams(
            dimension_semantics=("arbitrary",),
            fuse_transposed_lhs_in_matmul=True),
    )(atids, sids, mode_arr, scal_col, cardT, unitT, enemyT, ascalT,
      cardT, unitT, wpool, atype_emb, source_emb, mode_emb,
      W_state, bs_col, W_action, ba_col, W_h1a, W_h1b, bh1_col,
      W_h2, bh2_col)


def kernel(scalars, action_scalars, hand_card_ids, unit_ids, action_type_ids,
           source_ids, card_ids, action_unit_ids, enemy_ids, mode_id,
           card_emb, unit_emb, enemy_emb, action_type_emb, source_emb,
           mode_emb, W_state, b_state, W_action, b_action, W_h1, b_h1,
           W_h2, b_h2):
    i32 = jnp.int32
    f32 = jnp.float32
    cardT, unitT, enemyT = _sc_gather(
        card_emb.T, unit_emb.T, enemy_emb.T,
        card_ids.astype(i32), action_unit_ids.astype(i32),
        enemy_ids.astype(i32), hand_card_ids.astype(i32),
        unit_ids.astype(i32))

    wpool = jnp.where(jnp.arange(CH) < HAND, f32(1.0 / HAND),
                      f32(0.0)).reshape(CH, 1)
    mode_arr = jnp.reshape(jnp.asarray(mode_id, i32), (1, 1))
    atids = jnp.reshape(action_type_ids.astype(i32), (G, 1, BLK))
    sids = jnp.reshape(source_ids.astype(i32), (G, 1, BLK))
    bf = jnp.bfloat16
    out = _tc_mlp(
        atids, sids, mode_arr, jnp.reshape(scalars, (24, 1)),
        cardT, unitT, enemyT, action_scalars.T, wpool,
        atype_emb=action_type_emb.astype(bf),
        source_emb=source_emb.astype(bf), mode_emb=mode_emb,
        W_state=W_state, bs_col=jnp.reshape(b_state, (HID, 1)),
        W_action=W_action.astype(bf),
        ba_col=jnp.reshape(b_action, (HID, 1)),
        W_h1a=W_h1[0:HID, :], W_h1b=W_h1[HID:2 * HID, :].astype(bf),
        bh1_col=jnp.reshape(b_h1, (HID, 1)),
        W_h2=W_h2, bh2_col=jnp.reshape(b_h2, (1, 1)))
    return out[0, :]

# --- scband reference (transcript-rebuilt; emitter-appended) ---
"""Pipeline reference for scband-embedding-action-scoring-network-927712936000 (READ-ONLY COPY).

The authoritative reference and input builder live on the scoring server;
editing this copy changes nothing except your own understanding.
"""

import jax, jax.numpy as jnp
import numpy as np

EMB_DIM = 32
HIDDEN = 256
CARD_V, UNIT_V, ENEMY_V = 100000, 100000, 100000
ATYPE_V, SRC_V, MODE_V = 64, 64, 16
N_ACTIONS = 16384
HAND_LEN = 200
UNIT_LEN = 200
STATE_SCALAR_DIM = 24
ACTION_SCALAR_DIM = 16


def setup_inputs(seed: int = 0) -> dict:
    key = jax.random.key(seed)
    ks = jax.random.split(key, 24)
    s = 0.02
    inp = {
        "scalars": jax.random.normal(ks[0], (STATE_SCALAR_DIM,), jnp.float32),
        "action_scalars": jax.random.normal(ks[1], (N_ACTIONS, ACTION_SCALAR_DIM), jnp.float32),
        "hand_card_ids": jax.random.randint(ks[2], (HAND_LEN,), 0, CARD_V),
        "unit_ids": jax.random.randint(ks[3], (UNIT_LEN,), 0, UNIT_V),
        "action_type_ids": jax.random.randint(ks[4], (N_ACTIONS,), 0, ATYPE_V),
        "source_ids": jax.random.randint(ks[5], (N_ACTIONS,), 0, SRC_V),
        "card_ids": jax.random.randint(ks[6], (N_ACTIONS,), 0, CARD_V),
        "action_unit_ids": jax.random.randint(ks[7], (N_ACTIONS,), 0, UNIT_V),
        "enemy_ids": jax.random.randint(ks[8], (N_ACTIONS,), 0, ENEMY_V),
        "mode_id": 7,
        "card_emb": jax.random.normal(ks[9], (CARD_V, EMB_DIM), jnp.float32) * s,
        "unit_emb": jax.random.normal(ks[10], (UNIT_V, EMB_DIM), jnp.float32) * s,
        "enemy_emb": jax.random.normal(ks[11], (ENEMY_V, EMB_DIM), jnp.float32) * s,
        "action_type_emb": jax.random.normal(ks[12], (ATYPE_V, EMB_DIM), jnp.float32) * s,
        "source_emb": jax.random.normal(ks[13], (SRC_V, EMB_DIM), jnp.float32) * s,
        "mode_emb": jax.random.normal(ks[14], (MODE_V, EMB_DIM), jnp.float32) * s,
        "W_state": jax.random.normal(ks[15], (STATE_SCALAR_DIM + 3 * EMB_DIM, HIDDEN), jnp.float32) * s,
        "b_state": jnp.zeros((HIDDEN,), jnp.float32),
        "W_action": jax.random.normal(ks[16], (5 * EMB_DIM + ACTION_SCALAR_DIM, HIDDEN), jnp.float32) * s,
        "b_action": jnp.zeros((HIDDEN,), jnp.float32),
        "W_h1": jax.random.normal(ks[17], (2 * HIDDEN, HIDDEN), jnp.float32) * s,
        "b_h1": jnp.zeros((HIDDEN,), jnp.float32),
        "W_h2": jax.random.normal(ks[18], (HIDDEN, 1), jnp.float32) * s,
        "b_h2": jnp.zeros((1,), jnp.float32),
    }
    return inp


def reference(scalars, action_scalars, hand_card_ids, unit_ids, action_type_ids,
              source_ids, card_ids, action_unit_ids, enemy_ids, mode_id,
              card_emb, unit_emb, enemy_emb, action_type_emb, source_emb, mode_emb,
              W_state, b_state, W_action, b_action, W_h1, b_h1, W_h2, b_h2):
    # encode_state
    mode_vec = mode_emb[mode_id]
    hand_pool = jnp.take(card_emb, hand_card_ids, axis=0).mean(axis=0)
    unit_pool = jnp.take(unit_emb, unit_ids, axis=0).mean(axis=0)
    state_input = jnp.concatenate([scalars, mode_vec, hand_pool, unit_pool])
    state_repr = jnp.tanh(state_input @ W_state + b_state)
    # encode_actions
    action_input = jnp.concatenate([
        jnp.take(action_type_emb, action_type_ids, axis=0),
        jnp.take(source_emb, source_ids, axis=0),
        jnp.take(card_emb, card_ids, axis=0),
        jnp.take(unit_emb, action_unit_ids, axis=0),
        jnp.take(enemy_emb, enemy_ids, axis=0),
        action_scalars,
    ], axis=-1)
    action_reprs = jnp.tanh(action_input @ W_action + b_action)
    # scoring
    n = action_reprs.shape[0]
    state_broadcast = jnp.broadcast_to(state_repr[None, :], (n, state_repr.shape[0]))
    combined = jnp.concatenate([state_broadcast, action_reprs], axis=-1)
    h = jnp.tanh(combined @ W_h1 + b_h1)
    logits = (h @ W_h2 + b_h2)[:, 0]
    return logits

if __name__ == "__main__":
    import jax
    _d = setup_inputs()
    print(jax.jit(kernel)(*tuple(_d.values())))

</pallas_src>

<mosaic_0001>
#map = affine_map<(d0, d1) -> (0, 0)>
#map1 = affine_map<(d0, d1) -> (0)>
module attributes {stable_mosaic.version = 14 : i64} {
  func.func @k(%arg0: i32, %arg1: i32, %arg2: memref<32x100000xf32, #tpu.memory_space<hbm>>, %arg3: memref<32x100000xf32, #tpu.memory_space<hbm>>, %arg4: memref<32x100000xf32, #tpu.memory_space<hbm>>, %arg5: memref<16384xi32, #tpu.memory_space<hbm>>, %arg6: memref<16384xi32, #tpu.memory_space<hbm>>, %arg7: memref<16384xi32, #tpu.memory_space<hbm>>, %arg8: memref<200xi32, #tpu.memory_space<hbm>>, %arg9: memref<200xi32, #tpu.memory_space<hbm>>, %arg10: memref<32x17408xf32, #tpu.memory_space<hbm>>, %arg11: memref<32x17408xf32, #tpu.memory_space<hbm>>, %arg12: memref<32x16384xf32, #tpu.memory_space<hbm>>, %arg13: memref<100000xf32, #tpu.memory_space<vmem>>, %arg14: memref<17408xi32, #tpu.memory_space<vmem>>, %arg15: memref<8704xf32, #tpu.memory_space<vmem>>, %arg16: memref<!tpu.dma_semaphore, #tpu.memory_space<semaphore_mem>>, %arg17: memref<!tpu.dma_semaphore, #tpu.memory_space<semaphore_mem>>, %arg18: memref<!tpu.dma_semaphore, #tpu.memory_space<semaphore_mem>>) attributes {dimension_semantics = [#tpu.dimension_semantics<core_parallel>, #tpu.dimension_semantics<subcore_parallel>], iteration_bounds = array<i64: 2, 16>, scalar_prefetch = 0 : i64, scratch_operands = 6 : i64, tpu.core_type = #tpu.core_type<sc_vector_subcore>, window_params = [{transform_indices = #map}, {transform_indices = #map}, {transform_indices = #map}, {transform_indices = #map1}, {transform_indices = #map1}, {transform_indices = #map1}, {transform_indices = #map1}, {transform_indices = #map1}, {transform_indices = #map}, {transform_indices = #map}, {transform_indices = #map}]} {
    %mul3A = arith.constant 2 : i32
    %mul3A_0 = arith.muli %arg1, %mul3A : i32
    %add3A = arith.addi %mul3A_0, %arg0 : i32
    %dma_start3A = arith.constant 0 : i32
    %dma_start3A_1 = tpu.memref_slice %arg2[%add3A, %dma_start3A] : memref<32x100000xf32, #tpu.memory_space<hbm>> -> memref<1x100000xf32, #tpu.memory_space<hbm>>
    %dma_start3A_2 = tpu.memref_squeeze %dma_start3A_1 : memref<1x100000xf32, #tpu.memory_space<hbm>> -> memref<100000xf32, #tpu.memory_space<hbm>>
    %dma_start3A_3 = arith.constant 0 : i32
    %dma_start3A_4 = tpu.memref_slice %arg2[%add3A, %dma_start3A_3] : memref<32x100000xf32, #tpu.memory_space<hbm>> -> memref<1x100000xf32, #tpu.memory_space<hbm>>
    %dma_start3A_5 = tpu.memref_squeeze %dma_start3A_4 : memref<1x100000xf32, #tpu.memory_space<hbm>> -> memref<100000xf32, #tpu.memory_space<hbm>>
    tpu.enqueue_dma source(%dma_start3A_5 : memref<100000xf32, #tpu.memory_space<hbm>>) target(%arg13 : memref<100000xf32, #tpu.memory_space<vmem>>) target_semaphore(%arg16 : memref<!tpu.dma_semaphore, #tpu.memory_space<semaphore_mem>>)
    %dma_start3A_6 = arith.constant 0 : i32
    %dma_start3A_7 = tpu.memref_slice %arg14[%dma_start3A_6] : memref<17408xi32, #tpu.memory_space<vmem>> -> memref<16384xi32, #tpu.memory_space<vmem>>
    %dma_start3A_8 = arith.constant 0 : i32
    %dma_start3A_9 = tpu.memref_slice %arg14[%dma_start3A_8] : memref<17408xi32, #tpu.memory_space<vmem>> -> memref<16384xi32, #tpu.memory_space<vmem>>
    tpu.enqueue_dma source(%arg5 : memref<16384xi32, #tpu.memory_space<hbm>>) target(%dma_start3A_9 : memref<16384xi32, #tpu.memory_space<vmem>>) target_semaphore(%arg17 : memref<!tpu.dma_semaphore, #tpu.memory_space<semaphore_mem>>)
    %dma_start3A_10 = arith.constant 16384 : i32
    %dma_start3A_11 = tpu.memref_slice %arg14[%dma_start3A_10] : memref<17408xi32, #tpu.memory_space<vmem>> -> memref<200xi32, #tpu.memory_space<vmem>>
    %dma_start3A_12 = arith.constant 16384 : i32
    %dma_start3A_13 = tpu.memref_slice %arg14[%dma_start3A_12] : memref<17408xi32, #tpu.memory_space<vmem>> -> memref<200xi32, #tpu.memory_space<vmem>>
    tpu.enqueue_dma source(%arg8 : memref<200xi32, #tpu.memory_space<hbm>>) target(%dma_start3A_13 : memref<200xi32, #tpu.memory_space<vmem>>) target_semaphore(%arg17 : memref<!tpu.dma_semaphore, #tpu.memory_space<semaphore_mem>>)
    %dma_wait3A = arith.constant 0 : i32
    %dma_wait3A_14 = tpu.memref_slice %arg14[%dma_wait3A] : memref<17408xi32, #tpu.memory_space<vmem>> -> memref<16384xi32, #tpu.memory_space<vmem>>
    %dma_wait3A_15 = arith.constant 0 : i32
    %dma_wait3A_16 = tpu.memref_slice %arg14[%dma_wait3A_15] : memref<17408xi32, #tpu.memory_space<vmem>> -> memref<16384xi32, #tpu.memory_space<vmem>>
    tpu.wait_dma2 semaphore(%arg17 : memref<!tpu.dma_semaphore, #tpu.memory_space<semaphore_mem>>) src(%arg5 : memref<16384xi32, #tpu.memory_space<hbm>>) dst(%dma_wait3A_16 : memref<16384xi32, #tpu.memory_space<vmem>>)
    %dma_wait3A_17 = arith.constant 16384 : i32
    %dma_wait3A_18 = tpu.memref_slice %arg14[%dma_wait3A_17] : memref<17408xi32, #tpu.memory_space<vmem>> -> memref<200xi32, #tpu.memory_space<vmem>>
    %dma_wait3A_19 = arith.constant 16384 : i32
    %dma_wait3A_20 = tpu.memref_slice %arg14[%dma_wait3A_19] : memref<17408xi32, #tpu.memory_space<vmem>> -> memref<200xi32, #tpu.memory_space<vmem>>
    tpu.wait_dma2 semaphore(%arg17 : memref<!tpu.dma_semaphore, #tpu.memory_space<semaphore_mem>>) src(%arg8 : memref<200xi32, #tpu.memory_space<hbm>>) dst(%dma_wait3A_20 : memref<200xi32, #tpu.memory_space<vmem>>)
    %get3A = arith.constant 16576 : index
    %get3A_21 = tpu.vector_load %arg14[%get3A] {strides = array<i32>} : memref<17408xi32, #tpu.memory_space<vmem>>, vector<16xi32>,
    %iota3A = tpu.iota {dimensions = array<i32: 0>} : vector<16xi32>
    %ge3A = arith.constant 8 : i32
    %ge3A_22 = vector.broadcast %ge3A : i32 to vector<16xi32>
    %ge3A_23 = arith.cmpi sge, %iota3A, %ge3A_22 : vector<16xi32>
    %jit3A = arith.constant 0 : i32
    %broadcast_in_dim3A = vector.broadcast %jit3A : i32 to vector<16xi32>
    %select_n3A = arith.select %ge3A_23, %broadcast_in_dim3A, %get3A_21 : vector<16xi1>, vector<16xi32>
    %swap3A = arith.constant 16576 : index
    %swap3A_24 = tpu.vector_load %arg14[%swap3A] {strides = array<i32>} : memref<17408xi32, #tpu.memory_space<vmem>>, vector<16xi32>,
    tpu.vector_store %arg14[%swap3A], %select_n3A {strides = array<i32>} : memref<17408xi32, #tpu.memory_space<vmem>>, vector<16xi32>,
    %broadcast_in_dim3A_25 = arith.constant 0 : i32
    %broadcast_in_dim3A_26 = vector.broadcast %broadcast_in_dim3A_25 : i32 to vector<16xi32>
    %swap3A_27 = arith.constant 16592 : index
    %swap3A_28 = tpu.vector_load %arg14[%swap3A_27] {strides = array<i32>} : memref<17408xi32, #tpu.memory_space<vmem>>, vector<16xi32>,
    tpu.vector_store %arg14[%swap3A_27], %broadcast_in_dim3A_26 {strides = array<i32>} : memref<17408xi32, #tpu.memory_space<vmem>>, vector<16xi32>,
    %broadcast_in_dim3A_29 = arith.constant 0 : i32
    %broadcast_in_dim3A_30 = vector.broadcast %broadcast_in_dim3A_29 : i32 to vector<16xi32>
    %swap3A_31 = arith.constant 16608 : index
    %swap3A_32 = tpu.vector_load %arg14[%swap3A_31] {strides = array<i32>} : memref<17408xi32, #tpu.memory_space<vmem>>, vector<16xi32>,
    tpu.vector_store %arg14[%swap3A_31], %broadcast_in_dim3A_30 {strides = array<i32>} : memref<17408xi32, #tpu.memory_space<vmem>>, vector<16xi32>,
    %broadcast_in_dim3A_33 = arith.constant 0 : i32
    %broadcast_in_dim3A_34 = vector.broadcast %broadcast_in_dim3A_33 : i32 to vector<16xi32>
    %swap3A_35 = arith.constant 16624 : index
    %swap3A_36 = tpu.vector_load %arg14[%swap3A_35] {strides = array<i32>} : memref<17408xi32, #tpu.memory_space<vmem>>, vector<16xi32>,
    tpu.vector_store %arg14[%swap3A_35], %broadcast_in_dim3A_34 {strides = array<i32>} : memref<17408xi32, #tpu.memory_space<vmem>>, vector<16xi32>,
    %broadcast_in_dim3A_37 = arith.constant 0 : i32
    %broadcast_in_dim3A_38 = vector.broadcast %broadcast_in_dim3A_37 : i32 to vector<16xi32>
    %swap3A_39 = arith.constant 16640 : index
    %swap3A_40 = tpu.vector_load %arg14[%swap3A_39] {strides = array<i32>} : memref<17408xi32, #tpu.memory_space<vmem>>, vector<16xi32>,
    tpu.vector_store %arg14[%swap3A_39], %broadcast_in_dim3A_38 {strides = array<i32>} : memref<17408xi32, #tpu.memory_space<vmem>>, vector<16xi32>,
    %broadcast_in_dim3A_41 = arith.constant 0 : i32
    %broadcast_in_dim3A_42 = vector.broadcast %broadcast_in_dim3A_41 : i32 to vector<16xi32>
    %swap3A_43 = arith.constant 16656 : index
    %swap3A_44 = tpu.vector_load %arg14[%swap3A_43] {strides = array<i32>} : memref<17408xi32, #tpu.memory_space<vmem>>, vector<16xi32>,
    tpu.vector_store %arg14[%swap3A_43], %broadcast_in_dim3A_42 {strides = array<i32>} : memref<17408xi32, #tpu.memory_space<vmem>>, vector<16xi32>,
    %broadcast_in_dim3A_45 = arith.constant 0 : i32
    %broadcast_in_dim3A_46 = vector.broadcast %broadcast_in_dim3A_45 : i32 to vector<16xi32>
    %swap3A_47 = arith.constant 16672 : index
    %swap3A_48 = tpu.vector_load %arg14[%swap3A_47] {strides = array<i32>} : memref<17408xi32, #tpu.memory_space<vmem>>, vector<16xi32>,
    tpu.vector_store %arg14[%swap3A_47], %broadcast_in_dim3A_46 {strides = array<i32>} : memref<17408xi32, #tpu.memory_space<vmem>>, vector<16xi32>,
    %broadcast_in_dim3A_49 = arith.constant 0 : i32
    %broadcast_in_dim3A_50 = vector.broadcast %broadcast_in_dim3A_49 : i32 to vector<16xi32>
    %swap3A_51 = arith.constant 16688 : index
    %swap3A_52 = tpu.vector_load %arg14[%swap3A_51] {strides = array<i32>} : memref<17408xi32, #tpu.memory_space<vmem>>, vector<16xi32>,
    tpu.vector_store %arg14[%swap3A_51], %broadcast_in_dim3A_50 {strides = array<i32>} : memref<17408xi32, #tpu.memory_space<vmem>>, vector<16xi32>,
    %broadcast_in_dim3A_53 = arith.constant 0 : i32
    %broadcast_in_dim3A_54 = vector.broadcast %broadcast_in_dim3A_53 : i32 to vector<16xi32>
    %swap3A_55 = arith.constant 16704 : index
    %swap3A_56 = tpu.vector_load %arg14[%swap3A_55] {strides = array<i32>} : memref<17408xi32, #tpu.memory_space<vmem>>, vector<16xi32>,
    tpu.vector_store %arg14[%swap3A_55], %broadcast_in_dim3A_54 {strides = array<i32>} : memref<17408xi32, #tpu.memory_space<vmem>>, vector<16xi32>,
    %broadcast_in_dim3A_57 = arith.constant 0 : i32
    %broadcast_in_dim3A_58 = vector.broadcast %broadcast_in_dim3A_57 : i32 to vector<16xi32>
    %swap3A_59 = arith.constant 16720 : index
    %swap3A_60 = tpu.vector_load %arg14[%swap3A_59] {strides = array<i32>} : memref<17408xi32, #tpu.memory_space<vmem>>, vector<16xi32>,
    tpu.vector_store %arg14[%swap3A_59], %broadcast_in_dim3A_58 {strides = array<i32>} : memref<17408xi32, #tpu.memory_space<vmem>>, vector<16xi32>,
    %broadcast_in_dim3A_61 = arith.constant 0 : i32
    %broadcast_in_dim3A_62 = vector.broadcast %broadcast_in_dim3A_61 : i32 to vector<16xi32>
    %swap3A_63 = arith.constant 16736 : index
    %swap3A_64 = tpu.vector_load %arg14[%swap3A_63] {strides = array<i32>} : memref<17408xi32, #tpu.memory_space<vmem>>, vector<16xi32>,
    tpu.vector_store %arg14[%swap3A_63], %broadcast_in_dim3A_62 {strides = array<i32>} : memref<17408xi32, #tpu.memory_space<vmem>>, vector<16xi32>,
    %broadcast_in_dim3A_65 = arith.constant 0 : i32
    %broadcast_in_dim3A_66 = vector.broadcast %broadcast_in_dim3A_65 : i32 to vector<16xi32>
    %swap3A_67 = arith.constant 16752 : index
    %swap3A_68 = tpu.vector_load %arg14[%swap3A_67] {strides = array<i32>} : memref<17408xi32, #tpu.memory_space<vmem>>, vector<16xi32>,
    tpu.vector_store %arg14[%swap3A_67], %broadcast_in_dim3A_66 {strides = array<i32>} : memref<17408xi32, #tpu.memory_space<vmem>>, vector<16xi32>,
    %broadcast_in_dim3A_69 = arith.constant 0 : i32
    %broadcast_in_dim3A_70 = vector.broadcast %broadcast_in_dim3A_69 : i32 to vector<16xi32>
    %swap3A_71 = arith.constant 16768 : index
    %swap3A_72 = tpu.vector_load %arg14[%swap3A_71] {strides = array<i32>} : memref<17408xi32, #tpu.memory_space<vmem>>, vector<16xi32>,
    tpu.vector_store %arg14[%swap3A_71], %broadcast_in_dim3A_70 {strides = array<i32>} : memref<17408xi32, #tpu.memory_space<vmem>>, vector<16xi32>,
    %broadcast_in_dim3A_73 = arith.constant 0 : i32
    %broadcast_in_dim3A_74 = vector.broadcast %broadcast_in_dim3A_73 : i32 to vector<16xi32>
    %swap3A_75 = arith.constant 16784 : index
    %swap3A_76 = tpu.vector_load %arg14[%swap3A_75] {strides = array<i32>} : memref<17408xi32, #tpu.memory_space<vmem>>, vector<16xi32>,
    tpu.vector_store %arg14[%swap3A_75], %broadcast_in_dim3A_74 {strides = array<i32>} : memref<17408xi32, #tpu.memory_space<vmem>>, vector<16xi32>,
    %broadcast_in_dim3A_77 = arith.constant 0 : i32
    %broadcast_in_dim3A_78 = vector.broadcast %broadcast_in_dim3A_77 : i32 to vector<16xi32>
    %swap3A_79 = arith.constant 16800 : index
    %swap3A_80 = tpu.vector_load %arg14[%swap3A_79] {strides = array<i32>} : memref<17408xi32, #tpu.memory_space<vmem>>, vector<16xi32>,
    tpu.vector_store %arg14[%swap3A_79], %broadcast_in_dim3A_78 {strides = array<i32>} : memref<17408xi32, #tpu.memory_space<vmem>>, vector<16xi32>,
    %broadcast_in_dim3A_81 = arith.constant 0 : i32
    %broadcast_in_dim3A_82 = vector.broadcast %broadcast_in_dim3A_81 : i32 to vector<16xi32>
    %swap3A_83 = arith.constant 16816 : index
    %swap3A_84 = tpu.vector_load %arg14[%swap3A_83] {strides = array<i32>} : memref<17408xi32, #tpu.memory_space<vmem>>, vector<16xi32>,
    tpu.vector_store %arg14[%swap3A_83], %broadcast_in_dim3A_82 {strides = array<i32>} : memref<17408xi32, #tpu.memory_space<vmem>>, vector<16xi32>,
    %broadcast_in_dim3A_85 = arith.constant 0 : i32
    %broadcast_in_dim3A_86 = vector.broadcast %broadcast_in_dim3A_85 : i32 to vector<16xi32>
    %swap3A_87 = arith.constant 16832 : index
    %swap3A_88 = tpu.vector_load %arg14[%swap3A_87] {strides = array<i32>} : memref<17408xi32, #tpu.memory_space<vmem>>, vector<16xi32>,
    tpu.vector_store %arg14[%swap3A_87], %broadcast_in_dim3A_86 {strides = array<i32>} : memref<17408xi32, #tpu.memory_space<vmem>>, vector<16xi32>,
    %broadcast_in_dim3A_89 = arith.constant 0 : i32
    %broadcast_in_dim3A_90 = vector.broadcast %broadcast_in_dim3A_89 : i32 to vector<16xi32>
    %swap3A_91 = arith.constant 16848 : index
    %swap3A_92 = tpu.vector_load %arg14[%swap3A_91] {strides = array<i32>} : memref<17408xi32, #tpu.memory_space<vmem>>, vector<16xi32>,
    tpu.vector_store %arg14[%swap3A_91], %broadcast_in_dim3A_90 {strides = array<i32>} : memref<17408xi32, #tpu.memory_space<vmem>>, vector<16xi32>,
    %broadcast_in_dim3A_93 = arith.constant 0 : i32
    %broadcast_in_dim3A_94 = vector.broadcast %broadcast_in_dim3A_93 : i32 to vector<16xi32>
    %swap3A_95 = arith.constant 16864 : index
    %swap3A_96 = tpu.vector_load %arg14[%swap3A_95] {strides = array<i32>} : memref<17408xi32, #tpu.memory_space<vmem>>, vector<16xi32>,
    tpu.vector_store %arg14[%swap3A_95], %broadcast_in_dim3A_94 {strides = array<i32>} : memref<17408xi32, #tpu.memory_space<vmem>>, vector<16xi32>,
    %broadcast_in_dim3A_97 = arith.constant 0 : i32
    %broadcast_in_dim3A_98 = vector.broadcast %broadcast_in_dim3A_97 : i32 to vector<16xi32>
    %swap3A_99 = arith.constant 16880 : index
    %swap3A_100 = tpu.vector_load %arg14[%swap3A_99] {strides = array<i32>} : memref<17408xi32, #tpu.memory_space<vmem>>, vector<16xi32>,
    tpu.vector_store %arg14[%swap3A_99], %broadcast_in_dim3A_98 {strides = array<i32>} : memref<17408xi32, #tpu.memory_space<vmem>>, vector<16xi32>,
    %broadcast_in_dim3A_101 = arith.constant 0 : i32
    %broadcast_in_dim3A_102 = vector.broadcast %broadcast_in_dim3A_101 : i32 to vector<16xi32>
    %swap3A_103 = arith.constant 16896 : index
    %swap3A_104 = tpu.vector_load %arg14[%swap3A_103] {strides = array<i32>} : memref<17408xi32, #tpu.memory_space<vmem>>, vector<16xi32>,
    tpu.vector_store %arg14[%swap3A_103], %broadcast_in_dim3A_102 {strides = array<i32>} : memref<17408xi32, #tpu.memory_space<vmem>>, vector<16xi32>,
    %broadcast_in_dim3A_105 = arith.constant 0 : i32
    %broadcast_in_dim3A_106 = vector.broadcast %broadcast_in_dim3A_105 : i32 to vector<16xi32>
    %swap3A_107 = arith.constant 16912 : index
    %swap3A_108 = tpu.vector_load %arg14[%swap3A_107] {strides = array<i32>} : memref<17408xi32, #tpu.memory_space<vmem>>, vector<16xi32>,
    tpu.vector_store %arg14[%swap3A_107], %broadcast_in_dim3A_106 {strides = array<i32>} : memref<17408xi32, #tpu.memory_space<vmem>>, vector<16xi32>,
    %broadcast_in_dim3A_109 = arith.constant 0 : i32
    %broadcast_in_dim3A_110 = vector.broadcast %broadcast_in_dim3A_109 : i32 to vector<16xi32>
    %swap3A_111 = arith.constant 16928 : index
    %swap3A_112 = tpu.vector_load %arg14[%swap3A_111] {strides = array<i32>} : memref<17408xi32, #tpu.memory_space<vmem>>, vector<16xi32>,
    tpu.vector_store %arg14[%swap3A_111], %broadcast_in_dim3A_110 {strides = array<i32>} : memref<17408xi32, #tpu.memory_space<vmem>>, vector<16xi32>,
    %broadcast_in_dim3A_113 = arith.constant 0 : i32
    %broadcast_in_dim3A_114 = vector.broadcast %broadcast_in_dim3A_113 : i32 to vector<16xi32>
    %swap3A_115 = arith.constant 16944 : index
    %swap3A_116 = tpu.vector_load %arg14[%swap3A_115] {strides = array<i32>} : memref<17408xi32, #tpu.memory_space<vmem>>, vector<16xi32>,
    tpu.vector_store %arg14[%swap3A_115], %broadcast_in_dim3A_114 {strides = array<i32>} : memref<17408xi32, #tpu.memory_space<vmem>>, vector<16xi32>,
    %broadcast_in_dim3A_117 = arith.constant 0 : i32
    %broadcast_in_dim3A_118 = vector.broadcast %broadcast_in_dim3A_117 : i32 to vector<16xi32>
    %swap3A_119 = arith.constant 16960 : index
    %swap3A_120 = tpu.vector_load %arg14[%swap3A_119] {strides = array<i32>} : memref<17408xi32, #tpu.memory_space<vmem>>, vector<16xi32>,
    tpu.vector_store %arg14[%swap3A_119], %broadcast_in_dim3A_118 {strides = array<i32>} : memref<17408xi32, #tpu.memory_space<vmem>>, vector<16xi32>,
    %broadcast_in_dim3A_121 = arith.constant 0 : i32
    %broadcast_in_dim3A_122 = vector.broadcast %broadcast_in_dim3A_121 : i32 to vector<16xi32>
    %swap3A_123 = arith.constant 16976 : index
    %swap3A_124 = tpu.vector_load %arg14[%swap3A_123] {strides = array<i32>} : memref<17408xi32, #tpu.memory_space<vmem>>, vector<16xi32>,
    tpu.vector_store %arg14[%swap3A_123], %broadcast_in_dim3A_122 {strides = array<i32>} : memref<17408xi32, #tpu.memory_space<vmem>>, vector<16xi32>,
    %broadcast_in_dim3A_125 = arith.constant 0 : i32
    %broadcast_in_dim3A_126 = vector.broadcast %broadcast_in_dim3A_125 : i32 to vector<16xi32>
    %swap3A_127 = arith.constant 16992 : index
    %swap3A_128 = tpu.vector_load %arg14[%swap3A_127] {strides = array<i32>} : memref<17408xi32, #tpu.memory_space<vmem>>, vector<16xi32>,
    tpu.vector_store %arg14[%swap3A_127], %broadcast_in_dim3A_126 {strides = array<i32>} : memref<17408xi32, #tpu.memory_space<vmem>>, vector<16xi32>,
    %broadcast_in_dim3A_129 = arith.constant 0 : i32
    %broadcast_in_dim3A_130 = vector.broadcast %broadcast_in_dim3A_129 : i32 to vector<16xi32>
    %swap3A_131 = arith.constant 17008 : index
    %swap3A_132 = tpu.vector_load %arg14[%swap3A_131] {strides = array<i32>} : memref<17408xi32, #tpu.memory_space<vmem>>, vector<16xi32>,
    tpu.vector_store %arg14[%swap3A_131], %broadcast_in_dim3A_130 {strides = array<i32>} : memref<17408xi32, #tpu.memory_space<vmem>>, vector<16xi32>,
    %broadcast_in_dim3A_133 = arith.constant 0 : i32
    %broadcast_in_dim3A_134 = vector.broadcast %broadcast_in_dim3A_133 : i32 to vector<16xi32>
    %swap3A_135 = arith.constant 17024 : index
    %swap3A_136 = tpu.vector_load %arg14[%swap3A_135] {strides = array<i32>} : memref<17408xi32, #tpu.memory_space<vmem>>, vector<16xi32>,
    tpu.vector_store %arg14[%swap3A_135], %broadcast_in_dim3A_134 {strides = array<i32>} : memref<17408xi32, #tpu.memory_space<vmem>>, vector<16xi32>,
    %broadcast_in_dim3A_137 = arith.constant 0 : i32
    %broadcast_in_dim3A_138 = vector.broadcast %broadcast_in_dim3A_137 : i32 to vector<16xi32>
    %swap3A_139 = arith.constant 17040 : index
    %swap3A_140 = tpu.vector_load %arg14[%swap3A_139] {strides = array<i32>} : memref<17408xi32, #tpu.memory_space<vmem>>, vector<16xi32>,
    tpu.vector_store %arg14[%swap3A_139], %broadcast_in_dim3A_138 {strides = array<i32>} : memref<17408xi32, #tpu.memory_space<vmem>>, vector<16xi32>,
    %broadcast_in_dim3A_141 = arith.constant 0 : i32
    %broadcast_in_dim3A_142 = vector.broadcast %broadcast_in_dim3A_141 : i32 to vector<16xi32>
    %swap3A_143 = arith.constant 17056 : index
    %swap3A_144 = tpu.vector_load %arg14[%swap3A_143] {strides = array<i32>} : memref<17408xi32, #tpu.memory_space<vmem>>, vector<16xi32>,
    tpu.vector_store %arg14[%swap3A_143], %broadcast_in_dim3A_142 {strides = array<i32>} : memref<17408xi32, #tpu.memory_space<vmem>>, vector<16xi32>,
    %broadcast_in_dim3A_145 = arith.constant 0 : i32
    %broadcast_in_dim3A_146 = vector.broadcast %broadcast_in_dim3A_145 : i32 to vector<16xi32>
    %swap3A_147 = arith.constant 17072 : index
    %swap3A_148 = tpu.vector_load %arg14[%swap3A_147] {strides = array<i32>} : memref<17408xi32, #tpu.memory_space<vmem>>, vector<16xi32>,
    tpu.vector_store %arg14[%swap3A_147], %broadcast_in_dim3A_146 {strides = array<i32>} : memref<17408xi32, #tpu.memory_space<vmem>>, vector<16xi32>,
    %broadcast_in_dim3A_149 = arith.constant 0 : i32
    %broadcast_in_dim3A_150 = vector.broadcast %broadcast_in_dim3A_149 : i32 to vector<16xi32>
    %swap3A_151 = arith.constant 17088 : index
    %swap3A_152 = tpu.vector_load %arg14[%swap3A_151] {strides = array<i32>} : memref<17408xi32, #tpu.memory_space<vmem>>, vector<16xi32>,
    tpu.vector_store %arg14[%swap3A_151], %broadcast_in_dim3A_150 {strides = array<i32>} : memref<17408xi32, #tpu.memory_space<vmem>>, vector<16xi32>,
    %broadcast_in_dim3A_153 = arith.constant 0 : i32
    %broadcast_in_dim3A_154 = vector.broadcast %broadcast_in_dim3A_153 : i32 to vector<16xi32>
    %swap3A_155 = arith.constant 17104 : index
    %swap3A_156 = tpu.vector_load %arg14[%swap3A_155] {strides = array<i32>} : memref<17408xi32, #tpu.memory_space<vmem>>, vector<16xi32>,
    tpu.vector_store %arg14[%swap3A_155], %broadcast_in_dim3A_154 {strides = array<i32>} : memref<17408xi32, #tpu.memory_space<vmem>>, vector<16xi32>,
    %broadcast_in_dim3A_157 = arith.constant 0 : i32
    %broadcast_in_dim3A_158 = vector.broadcast %broadcast_in_dim3A_157 : i32 to vector<16xi32>
    %swap3A_159 = arith.constant 17120 : index
    %swap3A_160 = tpu.vector_load %arg14[%swap3A_159] {strides = array<i32>} : memref<17408xi32, #tpu.memory_space<vmem>>, vector<16xi32>,
    tpu.vector_store %arg14[%swap3A_159], %broadcast_in_dim3A_158 {strides = array<i32>} : memref<17408xi32, #tpu.memory_space<vmem>>, vector<16xi32>,
    %broadcast_in_dim3A_161 = arith.constant 0 : i32
    %broadcast_in_dim3A_162 = vector.broadcast %broadcast_in_dim3A_161 : i32 to vector<16xi32>
    %swap3A_163 = arith.constant 17136 : index
    %swap3A_164 = tpu.vector_load %arg14[%swap3A_163] {strides = array<i32>} : memref<17408xi32, #tpu.memory_space<vmem>>, vector<16xi32>,
    tpu.vector_store %arg14[%swap3A_163], %broadcast_in_dim3A_162 {strides = array<i32>} : memref<17408xi32, #tpu.memory_space<vmem>>, vector<16xi32>,
    %broadcast_in_dim3A_165 = arith.constant 0 : i32
    %broadcast_in_dim3A_166 = vector.broadcast %broadcast_in_dim3A_165 : i32 to vector<16xi32>
    %swap3A_167 = arith.constant 17152 : index
    %swap3A_168 = tpu.vector_load %arg14[%swap3A_167] {strides = array<i32>} : memref<17408xi32, #tpu.memory_space<vmem>>, vector<16xi32>,
    tpu.vector_store %arg14[%swap3A_167], %broadcast_in_dim3A_166 {strides = array<i32>} : memref<17408xi32, #tpu.memory_space<vmem>>, vector<16xi32>,
    %broadcast_in_dim3A_169 = arith.constant 0 : i32
    %broadcast_in_dim3A_170 = vector.broadcast %broadcast_in_dim3A_169 : i32 to vector<16xi32>
    %swap3A_171 = arith.constant 17168 : index
    %swap3A_172 = tpu.vector_load %arg14[%swap3A_171] {strides = array<i32>} : memref<17408xi32, #tpu.memory_space<vmem>>, vector<16xi32>,
    tpu.vector_store %arg14[%swap3A_171], %broadcast_in_dim3A_170 {strides = array<i32>} : memref<17408xi32, #tpu.memory_space<vmem>>, vector<16xi32>,
    %broadcast_in_dim3A_173 = arith.constant 0 : i32
    %broadcast_in_dim3A_174 = vector.broadcast %broadcast_in_dim3A_173 : i32 to vector<16xi32>
    %swap3A_175 = arith.constant 17184 : index
    %swap3A_176 = tpu.vector_load %arg14[%swap3A_175] {strides = array<i32>} : memref<17408xi32, #tpu.memory_space<vmem>>, vector<16xi32>,
    tpu.vector_store %arg14[%swap3A_175], %broadcast_in_dim3A_174 {strides = array<i32>} : memref<17408xi32, #tpu.memory_space<vmem>>, vector<16xi32>,
    %broadcast_in_dim3A_177 = arith.constant 0 : i32
    %broadcast_in_dim3A_178 = vector.broadcast %broadcast_in_dim3A_177 : i32 to vector<16xi32>
    %swap3A_179 = arith.constant 17200 : index
    %swap3A_180 = tpu.vector_load %arg14[%swap3A_179] {strides = array<i32>} : memref<17408xi32, #tpu.memory_space<vmem>>, vector<16xi32>,
    tpu.vector_store %arg14[%swap3A_179], %broadcast_in_dim3A_178 {strides = array<i32>} : memref<17408xi32, #tpu.memory_space<vmem>>, vector<16xi32>,
    %broadcast_in_dim3A_181 = arith.constant 0 : i32
    %broadcast_in_dim3A_182 = vector.broadcast %broadcast_in_dim3A_181 : i32 to vector<16xi32>
    %swap3A_183 = arith.constant 17216 : index
    %swap3A_184 = tpu.vector_load %arg14[%swap3A_183] {strides = array<i32>} : memref<17408xi32, #tpu.memory_space<vmem>>, vector<16xi32>,
    tpu.vector_store %arg14[%swap3A_183], %broadcast_in_dim3A_182 {strides = array<i32>} : memref<17408xi32, #tpu.memory_space<vmem>>, vector<16xi32>,
    %broadcast_in_dim3A_185 = arith.constant 0 : i32
    %broadcast_in_dim3A_186 = vector.broadcast %broadcast_in_dim3A_185 : i32 to vector<16xi32>
    %swap3A_187 = arith.constant 17232 : index
    %swap3A_188 = tpu.vector_load %arg14[%swap3A_187] {strides = array<i32>} : memref<17408xi32, #tpu.memory_space<vmem>>, vector<16xi32>,
    tpu.vector_store %arg14[%swap3A_187], %broadcast_in_dim3A_186 {strides = array<i32>} : memref<17408xi32, #tpu.memory_space<vmem>>, vector<16xi32>,
    %broadcast_in_dim3A_189 = arith.constant 0 : i32
    %broadcast_in_dim3A_190 = vector.broadcast %broadcast_in_dim3A_189 : i32 to vector<16xi32>
    %swap3A_191 = arith.constant 17248 : index
    %swap3A_192 = tpu.vector_load %arg14[%swap3A_191] {strides = array<i32>} : memref<17408xi32, #tpu.memory_space<vmem>>, vector<16xi32>,
    tpu.vector_store %arg14[%swap3A_191], %broadcast_in_dim3A_190 {strides = array<i32>} : memref<17408xi32, #tpu.memory_space<vmem>>, vector<16xi32>,
    %broadcast_in_dim3A_193 = arith.constant 0 : i32
    %broadcast_in_dim3A_194 = vector.broadcast %broadcast_in_dim3A_193 : i32 to vector<16xi32>
    %swap3A_195 = arith.constant 17264 : index
    %swap3A_196 = tpu.vector_load %arg14[%swap3A_195] {strides = array<i32>} : memref<17408xi32, #tpu.memory_space<vmem>>, vector<16xi32>,
    tpu.vector_store %arg14[%swap3A_195], %broadcast_in_dim3A_194 {strides = array<i32>} : memref<17408xi32, #tpu.memory_space<vmem>>, vector<16xi32>,
    %broadcast_in_dim3A_197 = arith.constant 0 : i32
    %broadcast_in_dim3A_198 = vector.broadcast %broadcast_in_dim3A_197 : i32 to vector<16xi32>
    %swap3A_199 = arith.constant 17280 : index
    %swap3A_200 = tpu.vector_load %arg14[%swap3A_199] {strides = array<i32>} : memref<17408xi32, #tpu.memory_space<vmem>>, vector<16xi32>,
    tpu.vector_store %arg14[%swap3A_199], %broadcast_in_dim3A_198 {strides = array<i32>} : memref<17408xi32, #tpu.memory_space<vmem>>, vector<16xi32>,
    %broadcast_in_dim3A_201 = arith.constant 0 : i32
    %broadcast_in_dim3A_202 = vector.broadcast %broadcast_in_dim3A_201 : i32 to vector<16xi32>
    %swap3A_203 = arith.constant 17296 : index
    %swap3A_204 = tpu.vector_load %arg14[%swap3A_203] {strides = array<i32>} : memref<17408xi32, #tpu.memory_space<vmem>>, vector<16xi32>,
    tpu.vector_store %arg14[%swap3A_203], %broadcast_in_dim3A_202 {strides = array<i32>} : memref<17408xi32, #tpu.memory_space<vmem>>, vector<16xi32>,
    %broadcast_in_dim3A_205 = arith.constant 0 : i32
    %broadcast_in_dim3A_206 = vector.broadcast %broadcast_in_dim3A_205 : i32 to vector<16xi32>
    %swap3A_207 = arith.constant 17312 : index
    %swap3A_208 = tpu.vector_load %arg14[%swap3A_207] {strides = array<i32>} : memref<17408xi32, #tpu.memory_space<vmem>>, vector<16xi32>,
    tpu.vector_store %arg14[%swap3A_207], %broadcast_in_dim3A_206 {strides = array<i32>} : memref<17408xi32, #tpu.memory_space<vmem>>, vector<16xi32>,
    %broadcast_in_dim3A_209 = arith.constant 0 : i32
    %broadcast_in_dim3A_210 = vector.broadcast %broadcast_in_dim3A_209 : i32 to vector<16xi32>
    %swap3A_211 = arith.constant 17328 : index
    %swap3A_212 = tpu.vector_load %arg14[%swap3A_211] {strides = array<i32>} : memref<17408xi32, #tpu.memory_space<vmem>>, vector<16xi32>,
    tpu.vector_store %arg14[%swap3A_211], %broadcast_in_dim3A_210 {strides = array<i32>} : memref<17408xi32, #tpu.memory_space<vmem>>, vector<16xi32>,
    %broadcast_in_dim3A_213 = arith.constant 0 : i32
    %broadcast_in_dim3A_214 = vector.broadcast %broadcast_in_dim3A_213 : i32 to vector<16xi32>
    %swap3A_215 = arith.constant 17344 : index
    %swap3A_216 = tpu.vector_load %arg14[%swap3A_215] {strides = array<i32>} : memref<17408xi32, #tpu.memory_space<vmem>>, vector<16xi32>,
    tpu.vector_store %arg14[%swap3A_215], %broadcast_in_dim3A_214 {strides = array<i32>} : memref<17408xi32, #tpu.memory_space<vmem>>, vector<16xi32>,
    %broadcast_in_dim3A_217 = arith.constant 0 : i32
    %broadcast_in_dim3A_218 = vector.broadcast %broadcast_in_dim3A_217 : i32 to vector<16xi32>
    %swap3A_219 = arith.constant 17360 : index
    %swap3A_220 = tpu.vector_load %arg14[%swap3A_219] {strides = array<i32>} : memref<17408xi32, #tpu.memory_space<vmem>>, vector<16xi32>,
    tpu.vector_store %arg14[%swap3A_219], %broadcast_in_dim3A_218 {strides = array<i32>} : memref<17408xi32, #tpu.memory_space<vmem>>, vector<16xi32>,
    %broadcast_in_dim3A_221 = arith.constant 0 : i32
    %broadcast_in_dim3A_222 = vector.broadcast %broadcast_in_dim3A_221 : i32 to vector<16xi32>
    %swap3A_223 = arith.constant 17376 : index
    %swap3A_224 = tpu.vector_load %arg14[%swap3A_223] {strides = array<i32>} : memref<17408xi32, #tpu.memory_space<vmem>>, vector<16xi32>,
    tpu.vector_store %arg14[%swap3A_223], %broadcast_in_dim3A_222 {strides = array<i32>} : memref<17408xi32, #tpu.memory_space<vmem>>, vector<16xi32>,
    %broadcast_in_dim3A_225 = arith.constant 0 : i32
    %broadcast_in_dim3A_226 = vector.broadcast %broadcast_in_dim3A_225 : i32 to vector<16xi32>
    %swap3A_227 = arith.constant 17392 : index
    %swap3A_228 = tpu.vector_load %arg14[%swap3A_227] {strides = array<i32>} : memref<17408xi32, #tpu.memory_space<vmem>>, vector<16xi32>,
    tpu.vector_store %arg14[%swap3A_227], %broadcast_in_dim3A_226 {strides = array<i32>} : memref<17408xi32, #tpu.memory_space<vmem>>, vector<16xi32>,
    %dma_wait3A_229 = arith.constant 0 : i32
    %dma_wait3A_230 = tpu.memref_slice %arg2[%add3A, %dma_wait3A_229] : memref<32x100000xf32, #tpu.memory_space<hbm>> -> memref<1x100000xf32, #tpu.memory_space<hbm>>
    %dma_wait3A_231 = tpu.memref_squeeze %dma_wait3A_230 : memref<1x100000xf32, #tpu.memory_space<hbm>> -> memref<100000xf32, #tpu.memory_space<hbm>>
    %dma_wait3A_232 = arith.constant 0 : i32
    %dma_wait3A_233 = tpu.memref_slice %arg2[%add3A, %dma_wait3A_232] : memref<32x100000xf32, #tpu.memory_space<hbm>> -> memref<1x100000xf32, #tpu.memory_space<hbm>>
    %dma_wait3A_234 = tpu.memref_squeeze %dma_wait3A_233 : memref<1x100000xf32, #tpu.memory_space<hbm>> -> memref<100000xf32, #tpu.memory_space<hbm>>
    tpu.wait_dma2 semaphore(%arg16 : memref<!tpu.dma_semaphore, #tpu.memory_space<semaphore_mem>>) src(%dma_wait3A_234 : memref<100000xf32, #tpu.memory_space<hbm>>) dst(%arg13 : memref<100000xf32, #tpu.memory_space<vmem>>)
    %parallel_loop3A = arith.constant 0 : i32
    %parallel_loop3A_235 = arith.constant 8704 : i32
    %parallel_loop3A_236 = arith.constant 16 : i32
    scf.for %parallel_loop3A_575 = %parallel_loop3A to %parallel_loop3A_235 step %parallel_loop3A_236  : i32 {
      %parallel_loop3A_576 = arith.constant 0 : i32
      %parallel_loop3A_577 = arith.addi %parallel_loop3A_576, %parallel_loop3A_575 : i32
      %parallel_loop3A_578 = arith.index_cast %parallel_loop3A_577 : i32 to index
      %parallel_loop3A_579 = tpu.vector_load %arg14[%parallel_loop3A_578] {strides = array<i32>} : memref<17408xi32, #tpu.memory_space<vmem>>, vector<16xi32>,
      %parallel_loop3A_580 = tpu.vector_load_idx %arg13[%parallel_loop3A_579] : memref<100000xf32, #tpu.memory_space<vmem>>[vector<16xi32>], vector<16xf32>,
      %parallel_loop3A_581 = arith.index_cast %parallel_loop3A_575 : i32 to index
      %parallel_loop3A_582 = tpu.vector_load %arg15[%parallel_loop3A_581] {strides = array<i32>} : memref<8704xf32, #tpu.memory_space<vmem>>, vector<16xf32>,
      tpu.vector_store %arg15[%parallel_loop3A_581], %parallel_loop3A_580 {strides = array<i32>} : memref<8704xf32, #tpu.memory_space<vmem>>, vector<16xf32>,
    } {sc.loop_unroll_factor = 16 : i64, sc.parallel_access}
    "tpu.region"() ({
      %run_scoped3A = tpu.sem_alloc : memref<!tpu.dma_semaphore, #tpu.memory_space<semaphore_mem>>
      %dma_start3A_575 = arith.constant 0 : i32
      %dma_start3A_576 = tpu.memref_slice %arg15[%dma_start3A_575] : memref<8704xf32, #tpu.memory_space<vmem>> -> memref<8704xf32, #tpu.memory_space<vmem>>
      %dma_start3A_577 = arith.constant 0 : i32
      %dma_start3A_578 = tpu.memref_slice %arg10[%add3A, %dma_start3A_577] : memref<32x17408xf32, #tpu.memory_space<hbm>> -> memref<1x8704xf32, #tpu.memory_space<hbm>>
      %dma_start3A_579 = tpu.memref_squeeze %dma_start3A_578 : memref<1x8704xf32, #tpu.memory_space<hbm>> -> memref<8704xf32, #tpu.memory_space<hbm>>
      %dma_start3A_580 = arith.constant 0 : i32
      %dma_start3A_581 = tpu.memref_slice %arg10[%add3A, %dma_start3A_580] : memref<32x17408xf32, #tpu.memory_space<hbm>> -> memref<1x8704xf32, #tpu.memory_space<hbm>>
      %dma_start3A_582 = tpu.memref_squeeze %dma_start3A_581 : memref<1x8704xf32, #tpu.memory_space<hbm>> -> memref<8704xf32, #tpu.memory_space<hbm>>
      %dma_start3A_583 = arith.constant 0 : i32
      %dma_start3A_584 = tpu.memref_slice %arg15[%dma_start3A_583] : memref<8704xf32, #tpu.memory_space<vmem>> -> memref<8704xf32, #tpu.memory_space<vmem>>
      tpu.enqueue_dma source(%dma_start3A_584 : memref<8704xf32, #tpu.memory_space<vmem>>) target(%dma_start3A_582 : memref<8704xf32, #tpu.memory_space<hbm>>) target_semaphore(%run_scoped3A : memref<!tpu.dma_semaphore, #tpu.memory_space<semaphore_mem>>)
      %dma_wait3A_585 = arith.constant 0 : i32
      %dma_wait3A_586 = tpu.memref_slice %arg15[%dma_wait3A_585] : memref<8704xf32, #tpu.memory_space<vmem>> -> memref<8704xf32, #tpu.memory_space<vmem>>
      %dma_wait3A_587 = arith.constant 0 : i32
      %dma_wait3A_588 = tpu.memref_slice %arg10[%add3A, %dma_wait3A_587] : memref<32x17408xf32, #tpu.memory_space<hbm>> -> memref<1x8704xf32, #tpu.memory_space<hbm>>
      %dma_wait3A_589 = tpu.memref_squeeze %dma_wait3A_588 : memref<1x8704xf32, #tpu.memory_space<hbm>> -> memref<8704xf32, #tpu.memory_space<hbm>>
      %dma_wait3A_590 = arith.constant 0 : i32
      %dma_wait3A_591 = tpu.memref_slice %arg10[%add3A, %dma_wait3A_590] : memref<32x17408xf32, #tpu.memory_space<hbm>> -> memref<1x8704xf32, #tpu.memory_space<hbm>>
      %dma_wait3A_592 = tpu.memref_squeeze %dma_wait3A_591 : memref<1x8704xf32, #tpu.memory_space<hbm>> -> memref<8704xf32, #tpu.memory_space<hbm>>
      %dma_wait3A_593 = arith.constant 0 : i32
      %dma_wait3A_594 = tpu.memref_slice %arg15[%dma_wait3A_593] : memref<8704xf32, #tpu.memory_space<vmem>> -> memref<8704xf32, #tpu.memory_space<vmem>>
      tpu.wait_dma2 semaphore(%run_scoped3A : memref<!tpu.dma_semaphore, #tpu.memory_space<semaphore_mem>>) src(%dma_wait3A_594 : memref<8704xf32, #tpu.memory_space<vmem>>) dst(%dma_wait3A_592 : memref<8704xf32, #tpu.memory_space<hbm>>)
      tpu.yield
    }) : () -> ()
    %parallel_loop3A_237 = arith.constant 0 : i32
    %parallel_loop3A_238 = arith.constant 8704 : i32
    %parallel_loop3A_239 = arith.constant 16 : i32
    scf.for %parallel_loop3A_575 = %parallel_loop3A_237 to %parallel_loop3A_238 step %parallel_loop3A_239  : i32 {
      %parallel_loop3A_576 = arith.constant 8704 : i32
      %parallel_loop3A_577 = arith.addi %parallel_loop3A_576, %parallel_loop3A_575 : i32
      %parallel_loop3A_578 = arith.index_cast %parallel_loop3A_577 : i32 to index
      %parallel_loop3A_579 = tpu.vector_load %arg14[%parallel_loop3A_578] {strides = array<i32>} : memref<17408xi32, #tpu.memory_space<vmem>>, vector<16xi32>,
      %parallel_loop3A_580 = tpu.vector_load_idx %arg13[%parallel_loop3A_579] : memref<100000xf32, #tpu.memory_space<vmem>>[vector<16xi32>], vector<16xf32>,
      %parallel_loop3A_581 = arith.index_cast %parallel_loop3A_575 : i32 to index
      %parallel_loop3A_582 = tpu.vector_load %arg15[%parallel_loop3A_581] {strides = array<i32>} : memref<8704xf32, #tpu.memory_space<vmem>>, vector<16xf32>,
      tpu.vector_store %arg15[%parallel_loop3A_581], %parallel_loop3A_580 {strides = array<i32>} : memref<8704xf32, #tpu.memory_space<vmem>>, vector<16xf32>,
    } {sc.loop_unroll_factor = 16 : i64, sc.parallel_access}
    %dma_start3A_240 = arith.constant 0 : i32
    %dma_start3A_241 = tpu.memref_slice %arg15[%dma_start3A_240] : memref<8704xf32, #tpu.memory_space<vmem>> -> memref<8704xf32, #tpu.memory_space<vmem>>
    %dma_start3A_242 = arith.constant 8704 : i32
    %dma_start3A_243 = tpu.memref_slice %arg10[%add3A, %dma_start3A_242] : memref<32x17408xf32, #tpu.memory_space<hbm>> -> memref<1x8704xf32, #tpu.memory_space<hbm>>
    %dma_start3A_244 = tpu.memref_squeeze %dma_start3A_243 : memref<1x8704xf32, #tpu.memory_space<hbm>> -> memref<8704xf32, #tpu.memory_space<hbm>>
    %dma_start3A_245 = arith.constant 8704 : i32
    %dma_start3A_246 = tpu.memref_slice %arg10[%add3A, %dma_start3A_245] : memref<32x17408xf32, #tpu.memory_space<hbm>> -> memref<1x8704xf32, #tpu.memory_space<hbm>>
    %dma_start3A_247 = tpu.memref_squeeze %dma_start3A_246 : memref<1x8704xf32, #tpu.memory_space<hbm>> -> memref<8704xf32, #tpu.memory_space<hbm>>
    %dma_start3A_248 = arith.constant 0 : i32
    %dma_start3A_249 = tpu.memref_slice %arg15[%dma_start3A_248] : memref<8704xf32, #tpu.memory_space<vmem>> -> memref<8704xf32, #tpu.memory_space<vmem>>
    tpu.enqueue_dma source(%dma_start3A_249 : memref<8704xf32, #tpu.memory_space<vmem>>) target(%dma_start3A_247 : memref<8704xf32, #tpu.memory_space<hbm>>) target_semaphore(%arg18 : memref<!tpu.dma_semaphore, #tpu.memory_space<semaphore_mem>>)
    %dma_start3A_250 = arith.constant 0 : i32
    %dma_start3A_251 = tpu.memref_slice %arg3[%add3A, %dma_start3A_250] : memref<32x100000xf32, #tpu.memory_space<hbm>> -> memref<1x100000xf32, #tpu.memory_space<hbm>>
    %dma_start3A_252 = tpu.memref_squeeze %dma_start3A_251 : memref<1x100000xf32, #tpu.memory_space<hbm>> -> memref<100000xf32, #tpu.memory_space<hbm>>
    %dma_start3A_253 = arith.constant 0 : i32
    %dma_start3A_254 = tpu.memref_slice %arg3[%add3A, %dma_start3A_253] : memref<32x100000xf32, #tpu.memory_space<hbm>> -> memref<1x100000xf32, #tpu.memory_space<hbm>>
    %dma_start3A_255 = tpu.memref_squeeze %dma_start3A_254 : memref<1x100000xf32, #tpu.memory_space<hbm>> -> memref<100000xf32, #tpu.memory_space<hbm>>
    tpu.enqueue_dma source(%dma_start3A_255 : memref<100000xf32, #tpu.memory_space<hbm>>) target(%arg13 : memref<100000xf32, #tpu.memory_space<vmem>>) target_semaphore(%arg16 : memref<!tpu.dma_semaphore, #tpu.memory_space<semaphore_mem>>)
    %dma_start3A_256 = arith.constant 0 : i32
    %dma_start3A_257 = tpu.memref_slice %arg14[%dma_start3A_256] : memref<17408xi32, #tpu.memory_space<vmem>> -> memref<16384xi32, #tpu.memory_space<vmem>>
    %dma_start3A_258 = arith.constant 0 : i32
    %dma_start3A_259 = tpu.memref_slice %arg14[%dma_start3A_258] : memref<17408xi32, #tpu.memory_space<vmem>> -> memref<16384xi32, #tpu.memory_space<vmem>>
    tpu.enqueue_dma source(%arg6 : memref<16384xi32, #tpu.memory_space<hbm>>) target(%dma_start3A_259 : memref<16384xi32, #tpu.memory_space<vmem>>) target_semaphore(%arg17 : memref<!tpu.dma_semaphore, #tpu.memory_space<semaphore_mem>>)
    %dma_start3A_260 = arith.constant 16384 : i32
    %dma_start3A_261 = tpu.memref_slice %arg14[%dma_start3A_260] : memref<17408xi32, #tpu.memory_space<vmem>> -> memref<200xi32, #tpu.memory_space<vmem>>
    %dma_start3A_262 = arith.constant 16384 : i32
    %dma_start3A_263 = tpu.memref_slice %arg14[%dma_start3A_262] : memref<17408xi32, #tpu.memory_space<vmem>> -> memref<200xi32, #tpu.memory_space<vmem>>
    tpu.enqueue_dma source(%arg9 : memref<200xi32, #tpu.memory_space<hbm>>) target(%dma_start3A_263 : memref<200xi32, #tpu.memory_space<vmem>>) target_semaphore(%arg17 : memref<!tpu.dma_semaphore, #tpu.memory_space<semaphore_mem>>)
    %dma_wait3A_264 = arith.constant 0 : i32
    %dma_wait3A_265 = tpu.memref_slice %arg14[%dma_wait3A_264] : memref<17408xi32, #tpu.memory_space<vmem>> -> memref<16384xi32, #tpu.memory_space<vmem>>
    %dma_wait3A_266 = arith.constant 0 : i32
    %dma_wait3A_267 = tpu.memref_slice %arg14[%dma_wait3A_266] : memref<17408xi32, #tpu.memory_space<vmem>> -> memref<16384xi32, #tpu.memory_space<vmem>>
    tpu.wait_dma2 semaphore(%arg17 : memref<!tpu.dma_semaphore, #tpu.memory_space<semaphore_mem>>) src(%arg6 : memref<16384xi32, #tpu.memory_space<hbm>>) dst(%dma_wait3A_267 : memref<16384xi32, #tpu.memory_space<vmem>>)
    %dma_wait3A_268 = arith.constant 16384 : i32
    %dma_wait3A_269 = tpu.memref_slice %arg14[%dma_wait3A_268] : memref<17408xi32, #tpu.memory_space<vmem>> -> memref<200xi32, #tpu.memory_space<vmem>>
    %dma_wait3A_270 = arith.constant 16384 : i32
    %dma_wait3A_271 = tpu.memref_slice %arg14[%dma_wait3A_270] : memref<17408xi32, #tpu.memory_space<vmem>> -> memref<200xi32, #tpu.memory_space<vmem>>
    tpu.wait_dma2 semaphore(%arg17 : memref<!tpu.dma_semaphore, #tpu.memory_space<semaphore_mem>>) src(%arg9 : memref<200xi32, #tpu.memory_space<hbm>>) dst(%dma_wait3A_271 : memref<200xi32, #tpu.memory_space<vmem>>)
    %get3A_272 = arith.constant 16576 : index
    %get3A_273 = tpu.vector_load %arg14[%get3A_272] {strides = array<i32>} : memref<17408xi32, #tpu.memory_space<vmem>>, vector<16xi32>,
    %iota3A_274 = tpu.iota {dimensions = array<i32: 0>} : vector<16xi32>
    %ge3A_275 = arith.constant 8 : i32
    %ge3A_276 = vector.broadcast %ge3A_275 : i32 to vector<16xi32>
    %ge3A_277 = arith.cmpi sge, %iota3A_274, %ge3A_276 : vector<16xi32>
    %jit3A_278 = arith.constant 0 : i32
    %broadcast_in_dim3A_279 = vector.broadcast %jit3A_278 : i32 to vector<16xi32>
    %select_n3A_280 = arith.select %ge3A_277, %broadcast_in_dim3A_279, %get3A_273 : vector<16xi1>, vector<16xi32>
    %swap3A_281 = arith.constant 16576 : index
    %swap3A_282 = tpu.vector_load %arg14[%swap3A_281] {strides = array<i32>} : memref<17408xi32, #tpu.memory_space<vmem>>, vector<16xi32>,
    tpu.vector_store %arg14[%swap3A_281], %select_n3A_280 {strides = array<i32>} : memref<17408xi32, #tpu.memory_space<vmem>>, vector<16xi32>,
    %broadcast_in_dim3A_283 = arith.constant 0 : i32
    %broadcast_in_dim3A_284 = vector.broadcast %broadcast_in_dim3A_283 : i32 to vector<16xi32>
    %swap3A_285 = arith.constant 16592 : index
    %swap3A_286 = tpu.vector_load %arg14[%swap3A_285] {strides = array<i32>} : memref<17408xi32, #tpu.memory_space<vmem>>, vector<16xi32>,
    tpu.vector_store %arg14[%swap3A_285], %broadcast_in_dim3A_284 {strides = array<i32>} : memref<17408xi32, #tpu.memory_space<vmem>>, vector<16xi32>,
    %broadcast_in_dim3A_287 = arith.constant 0 : i32
    %broadcast_in_dim3A_288 = vector.broadcast %broadcast_in_dim3A_287 : i32 to vector<16xi32>
    %swap3A_289 = arith.constant 16608 : index
    %swap3A_290 = tpu.vector_load %arg14[%swap3A_289] {strides = array<i32>} : memref<17408xi32, #tpu.memory_space<vmem>>, vector<16xi32>,
    tpu.vector_store %arg14[%swap3A_289], %broadcast_in_dim3A_288 {strides = array<i32>} : memref<17408xi32, #tpu.memory_space<vmem>>, vector<16xi32>,
    %broadcast_in_dim3A_291 = arith.constant 0 : i32
    %broadcast_in_dim3A_292 = vector.broadcast %broadcast_in_dim3A_291 : i32 to vector<16xi32>
    %swap3A_293 = arith.constant 16624 : index
    %swap3A_294 = tpu.vector_load %arg14[%swap3A_293] {strides = array<i32>} : memref<17408xi32, #tpu.memory_space<vmem>>, vector<16xi32>,
    tpu.vector_store %arg14[%swap3A_293], %broadcast_in_dim3A_292 {strides = array<i32>} : memref<17408xi32, #tpu.memory_space<vmem>>, vector<16xi32>,
    %broadcast_in_dim3A_295 = arith.constant 0 : i32
    %broadcast_in_dim3A_296 = vector.broadcast %broadcast_in_dim3A_295 : i32 to vector<16xi32>
    %swap3A_297 = arith.constant 16640 : index
    %swap3A_298 = tpu.vector_load %arg14[%swap3A_297] {strides = array<i32>} : memref<17408xi32, #tpu.memory_space<vmem>>, vector<16xi32>,
    tpu.vector_store %arg14[%swap3A_297], %broadcast_in_dim3A_296 {strides = array<i32>} : memref<17408xi32, #tpu.memory_space<vmem>>, vector<16xi32>,
    %broadcast_in_dim3A_299 = arith.constant 0 : i32
    %broadcast_in_dim3A_300 = vector.broadcast %broadcast_in_dim3A_299 : i32 to vector<16xi32>
    %swap3A_301 = arith.constant 16656 : index
    %swap3A_302 = tpu.vector_load %arg14[%swap3A_301] {strides = array<i32>} : memref<17408xi32, #tpu.memory_space<vmem>>, vector<16xi32>,
    tpu.vector_store %arg14[%swap3A_301], %broadcast_in_dim3A_300 {strides = array<i32>} : memref<17408xi32, #tpu.memory_space<vmem>>, vector<16xi32>,
    %broadcast_in_dim3A_303 = arith.constant 0 : i32
    %broadcast_in_dim3A_304 = vector.broadcast %broadcast_in_dim3A_303 : i32 to vector<16xi32>
    %swap3A_305 = arith.constant 16672 : index
    %swap3A_306 = tpu.vector_load %arg14[%swap3A_305] {strides = array<i32>} : memref<17408xi32, #tpu.memory_space<vmem>>, vector<16xi32>,
    tpu.vector_store %arg14[%swap3A_305], %broadcast_in_dim3A_304 {strides = array<i32>} : memref<17408xi32, #tpu.memory_space<vmem>>, vector<16xi32>,
    %broadcast_in_dim3A_307 = arith.constant 0 : i32
    %broadcast_in_dim3A_308 = vector.broadcast %broadcast_in_dim3A_307 : i32 to vector<16xi32>
    %swap3A_309 = arith.constant 16688 : index
    %swap3A_310 = tpu.vector_load %arg14[%swap3A_309] {strides = array<i32>} : memref<17408xi32, #tpu.memory_space<vmem>>, vector<16xi32>,
    tpu.vector_store %arg14[%swap3A_309], %broadcast_in_dim3A_308 {strides = array<i32>} : memref<17408xi32, #tpu.memory_space<vmem>>, vector<16xi32>,
    %broadcast_in_dim3A_311 = arith.constant 0 : i32
    %broadcast_in_dim3A_312 = vector.broadcast %broadcast_in_dim3A_311 : i32 to vector<16xi32>
    %swap3A_313 = arith.constant 16704 : index
    %swap3A_314 = tpu.vector_load %arg14[%swap3A_313] {strides = array<i32>} : memref<17408xi32, #tpu.memory_space<vmem>>, vector<16xi32>,
    tpu.vector_store %arg14[%swap3A_313], %broadcast_in_dim3A_312 {strides = array<i32>} : memref<17408xi32, #tpu.memory_space<vmem>>, vector<16xi32>,
    %broadcast_in_dim3A_315 = arith.constant 0 : i32
    %broadcast_in_dim3A_316 = vector.broadcast %broadcast_in_dim3A_315 : i32 to vector<16xi32>
    %swap3A_317 = arith.constant 16720 : index
    %swap3A_318 = tpu.vector_load %arg14[%swap3A_317] {strides = array<i32>} : memref<17408xi32, #tpu.memory_space<vmem>>, vector<16xi32>,
    tpu.vector_store %arg14[%swap3A_317], %broadcast_in_dim3A_316 {strides = array<i32>} : memref<17408xi32, #tpu.memory_space<vmem>>, vector<16xi32>,
    %broadcast_in_dim3A_319 = arith.constant 0 : i32
    %broadcast_in_dim3A_320 = vector.broadcast %broadcast_in_dim3A_319 : i32 to vector<16xi32>
    %swap3A_321 = arith.constant 16736 : index
    %swap3A_322 = tpu.vector_load %arg14[%swap3A_321] {strides = array<i32>} : memref<17408xi32, #tpu.memory_space<vmem>>, vector<16xi32>,
    tpu.vector_store %arg14[%swap3A_321], %broadcast_in_dim3A_320 {strides = array<i32>} : memref<17408xi32, #tpu.memory_space<vmem>>, vector<16xi32>,
    %broadcast_in_dim3A_323 = arith.constant 0 : i32
    %broadcast_in_dim3A_324 = vector.broadcast %broadcast_in_dim3A_323 : i32 to vector<16xi32>
    %swap3A_325 = arith.constant 16752 : index
    %swap3A_326 = tpu.vector_load %arg14[%swap3A_325] {strides = array<i32>} : memref<17408xi32, #tpu.memory_space<vmem>>, vector<16xi32>,
    tpu.vector_store %arg14[%swap3A_325], %broadcast_in_dim3A_324 {strides = array<i32>} : memref<17408xi32, #tpu.memory_space<vmem>>, vector<16xi32>,
    %broadcast_in_dim3A_327 = arith.constant 0 : i32
    %broadcast_in_dim3A_328 = vector.broadcast %broadcast_in_dim3A_327 : i32 to vector<16xi32>
    %swap3A_329 = arith.constant 16768 : index
    %swap3A_330 = tpu.vector_load %arg14[%swap3A_329] {strides = array<i32>} : memref<17408xi32, #tpu.memory_space<vmem>>, vector<16xi32>,
    tpu.vector_store %arg14[%swap3A_329], %broadcast_in_dim3A_328 {strides = array<i32>} : memref<17408xi32, #tpu.memory_space<vmem>>, vector<16xi32>,
    %broadcast_in_dim3A_331 = arith.constant 0 : i32
    %broadcast_in_dim3A_332 = vector.broadcast %broadcast_in_dim3A_331 : i32 to vector<16xi32>
    %swap3A_333 = arith.constant 16784 : index
    %swap3A_334 = tpu.vector_load %arg14[%swap3A_333] {strides = array<i32>} : memref<17408xi32, #tpu.memory_space<vmem>>, vector<16xi32>,
    tpu.vector_store %arg14[%swap3A_333], %broadcast_in_dim3A_332 {strides = array<i32>} : memref<17408xi32, #tpu.memory_space<vmem>>, vector<16xi32>,
    %broadcast_in_dim3A_335 = arith.constant 0 : i32
    %broadcast_in_dim3A_336 = vector.broadcast %broadcast_in_dim3A_335 : i32 to vector<16xi32>
    %swap3A_337 = arith.constant 16800 : index
    %swap3A_338 = tpu.vector_load %arg14[%swap3A_337] {strides = array<i32>} : memref<17408xi32, #tpu.memory_space<vmem>>, vector<16xi32>,
    tpu.vector_store %arg14[%swap3A_337], %broadcast_in_dim3A_336 {strides = array<i32>} : memref<17408xi32, #tpu.memory_space<vmem>>, vector<16xi32>,
    %broadcast_in_dim3A_339 = arith.constant 0 : i32
    %broadcast_in_dim3A_340 = vector.broadcast %broadcast_in_dim3A_339 : i32 to vector<16xi32>
    %swap3A_341 = arith.constant 16816 : index
    %swap3A_342 = tpu.vector_load %arg14[%swap3A_341] {strides = array<i32>} : memref<17408xi32, #tpu.memory_space<vmem>>, vector<16xi32>,
    tpu.vector_store %arg14[%swap3A_341], %broadcast_in_dim3A_340 {strides = array<i32>} : memref<17408xi32, #tpu.memory_space<vmem>>, vector<16xi32>,
    %broadcast_in_dim3A_343 = arith.constant 0 : i32
    %broadcast_in_dim3A_344 = vector.broadcast %broadcast_in_dim3A_343 : i32 to vector<16xi32>
    %swap3A_345 = arith.constant 16832 : index
    %swap3A_346 = tpu.vector_load %arg14[%swap3A_345] {strides = array<i32>} : memref<17408xi32, #tpu.memory_space<vmem>>, vector<16xi32>,
    tpu.vector_store %arg14[%swap3A_345], %broadcast_in_dim3A_344 {strides = array<i32>} : memref<17408xi32, #tpu.memory_space<vmem>>, vector<16xi32>,
    %broadcast_in_dim3A_347 = arith.constant 0 : i32
    %broadcast_in_dim3A_348 = vector.broadcast %broadcast_in_dim3A_347 : i32 to vector<16xi32>
    %swap3A_349 = arith.constant 16848 : index
    %swap3A_350 = tpu.vector_load %arg14[%swap3A_349] {strides = array<i32>} : memref<17408xi32, #tpu.memory_space<vmem>>, vector<16xi32>,
    tpu.vector_store %arg14[%swap3A_349], %broadcast_in_dim3A_348 {strides = array<i32>} : memref<17408xi32, #tpu.memory_space<vmem>>, vector<16xi32>,
    %broadcast_in_dim3A_351 = arith.constant 0 : i32
    %broadcast_in_dim3A_352 = vector.broadcast %broadcast_in_dim3A_351 : i32 to vector<16xi32>
    %swap3A_353 = arith.constant 16864 : index
    %swap3A_354 = tpu.vector_load %arg14[%swap3A_353] {strides = array<i32>} : memref<17408xi32, #tpu.memory_space<vmem>>, vector<16xi32>,
    tpu.vector_store %arg14[%swap3A_353], %broadcast_in_dim3A_352 {strides = array<i32>} : memref<17408xi32, #tpu.memory_space<vmem>>, vector<16xi32>,
    %broadcast_in_dim3A_355 = arith.constant 0 : i32
    %broadcast_in_dim3A_356 = vector.broadcast %broadcast_in_dim3A_355 : i32 to vector<16xi32>
    %swap3A_357 = arith.constant 16880 : index
    %swap3A_358 = tpu.vector_load %arg14[%swap3A_357] {strides = array<i32>} : memref<17408xi32, #tpu.memory_space<vmem>>, vector<16xi32>,
    tpu.vector_store %arg14[%swap3A_357], %broadcast_in_dim3A_356 {strides = array<i32>} : memref<17408xi32, #tpu.memory_space<vmem>>, vector<16xi32>,
    %broadcast_in_dim3A_359 = arith.constant 0 : i32
    %broadcast_in_dim3A_360 = vector.broadcast %broadcast_in_dim3A_359 : i32 to vector<16xi32>
    %swap3A_361 = arith.constant 16896 : index
    %swap3A_362 = tpu.vector_load %arg14[%swap3A_361] {strides = array<i32>} : memref<17408xi32, #tpu.memory_space<vmem>>, vector<16xi32>,
    tpu.vector_store %arg14[%swap3A_361], %broadcast_in_dim3A_360 {strides = array<i32>} : memref<17408xi32, #tpu.memory_space<vmem>>, vector<16xi32>,
    %broadcast_in_dim3A_363 = arith.constant 0 : i32
    %broadcast_in_dim3A_364 = vector.broadcast %broadcast_in_dim3A_363 : i32 to vector<16xi32>
    %swap3A_365 = arith.constant 16912 : index
    %swap3A_366 = tpu.vector_load %arg14[%swap3A_365] {strides = array<i32>} : memref<17408xi32, #tpu.memory_space<vmem>>, vector<16xi32>,
    tpu.vector_store %arg14[%swap3A_365], %broadcast_in_dim3A_364 {strides = array<i32>} : memref<17408xi32, #tpu.memory_space<vmem>>, vector<16xi32>,
    %broadcast_in_dim3A_367 = arith.constant 0 : i32
    %broadcast_in_dim3A_368 = vector.broadcast %broadcast_in_dim3A_367 : i32 to vector<16xi32>
    %swap3A_369 = arith.constant 16928 : index
    %swap3A_370 = tpu.vector_load %arg14[%swap3A_369] {strides = array<i32>} : memref<17408xi32, #tpu.memory_space<vmem>>, vector<16xi32>,
    tpu.vector_store %arg14[%swap3A_369], %broadcast_in_dim3A_368 {strides = array<i32>} : memref<17408xi32, #tpu.memory_space<vmem>>, vector<16xi32>,
    %broadcast_in_dim3A_371 = arith.constant 0 : i32
    %broadcast_in_dim3A_372 = vector.broadcast %broadcast_in_dim3A_371 : i32 to vector<16xi32>
    %swap3A_373 = arith.constant 16944 : index
    %swap3A_374 = tpu.vector_load %arg14[%swap3A_373] {strides = array<i32>} : memref<17408xi32, #tpu.memory_space<vmem>>, vector<16xi32>,
    tpu.vector_store %arg14[%swap3A_373], %broadcast_in_dim3A_372 {strides = array<i32>} : memref<17408xi32, #tpu.memory_space<vmem>>, vector<16xi32>,
    %broadcast_in_dim3A_375 = arith.constant 0 : i32
    %broadcast_in_dim3A_376 = vector.broadcast %broadcast_in_dim3A_375 : i32 to vector<16xi32>
    %swap3A_377 = arith.constant 16960 : index
    %swap3A_378 = tpu.vector_load %arg14[%swap3A_377] {strides = array<i32>} : memref<17408xi32, #tpu.memory_space<vmem>>, vector<16xi32>,
    tpu.vector_store %arg14[%swap3A_377], %broadcast_in_dim3A_376 {strides = array<i32>} : memref<17408xi32, #tpu.memory_space<vmem>>, vector<16xi32>,
    %broadcast_in_dim3A_379 = arith.constant 0 : i32
    %broadcast_in_dim3A_380 = vector.broadcast %broadcast_in_dim3A_379 : i32 to vector<16xi32>
    %swap3A_381 = arith.constant 16976 : index
    %swap3A_382 = tpu.vector_load %arg14[%swap3A_381] {strides = array<i32>} : memref<17408xi32, #tpu.memory_space<vmem>>, vector<16xi32>,
    tpu.vector_store %arg14[%swap3A_381], %broadcast_in_dim3A_380 {strides = array<i32>} : memref<17408xi32, #tpu.memory_space<vmem>>, vector<16xi32>,
    %broadcast_in_dim3A_383 = arith.constant 0 : i32
    %broadcast_in_dim3A_384 = vector.broadcast %broadcast_in_dim3A_383 : i32 to vector<16xi32>
    %swap3A_385 = arith.constant 16992 : index
    %swap3A_386 = tpu.vector_load %arg14[%swap3A_385] {strides = array<i32>} : memref<17408xi32, #tpu.memory_space<vmem>>, vector<16xi32>,
    tpu.vector_store %arg14[%swap3A_385], %broadcast_in_dim3A_384 {strides = array<i32>} : memref<17408xi32, #tpu.memory_space<vmem>>, vector<16xi32>,
    %broadcast_in_dim3A_387 = arith.constant 0 : i32
    %broadcast_in_dim3A_388 = vector.broadcast %broadcast_in_dim3A_387 : i32 to vector<16xi32>
    %swap3A_389 = arith.constant 17008 : index
    %swap3A_390 = tpu.vector_load %arg14[%swap3A_389] {strides = array<i32>} : memref<17408xi32, #tpu.memory_space<vmem>>, vector<16xi32>,
    tpu.vector_store %arg14[%swap3A_389], %broadcast_in_dim3A_388 {strides = array<i32>} : memref<17408xi32, #tpu.memory_space<vmem>>, vector<16xi32>,
    %broadcast_in_dim3A_391 = arith.constant 0 : i32
    %broadcast_in_dim3A_392 = vector.broadcast %broadcast_in_dim3A_391 : i32 to vector<16xi32>
    %swap3A_393 = arith.constant 17024 : index
    %swap3A_394 = tpu.vector_load %arg14[%swap3A_393] {strides = array<i32>} : memref<17408xi32, #tpu.memory_space<vmem>>, vector<16xi32>,
    tpu.vector_store %arg14[%swap3A_393], %broadcast_in_dim3A_392 {strides = array<i32>} : memref<17408xi32, #tpu.memory_space<vmem>>, vector<16xi32>,
    %broadcast_in_dim3A_395 = arith.constant 0 : i32
    %broadcast_in_dim3A_396 = vector.broadcast %broadcast_in_dim3A_395 : i32 to vector<16xi32>
    %swap3A_397 = arith.constant 17040 : index
    %swap3A_398 = tpu.vector_load %arg14[%swap3A_397] {strides = array<i32>} : memref<17408xi32, #tpu.memory_space<vmem>>, vector<16xi32>,
    tpu.vector_store %arg14[%swap3A_397], %broadcast_in_dim3A_396 {strides = array<i32>} : memref<17408xi32, #tpu.memory_space<vmem>>, vector<16xi32>,
    %broadcast_in_dim3A_399 = arith.constant 0 : i32
    %broadcast_in_dim3A_400 = vector.broadcast %broadcast_in_dim3A_399 : i32 to vector<16xi32>
    %swap3A_401 = arith.constant 17056 : index
    %swap3A_402 = tpu.vector_load %arg14[%swap3A_401] {strides = array<i32>} : memref<17408xi32, #tpu.memory_space<vmem>>, vector<16xi32>,
    tpu.vector_store %arg14[%swap3A_401], %broadcast_in_dim3A_400 {strides = array<i32>} : memref<17408xi32, #tpu.memory_space<vmem>>, vector<16xi32>,
    %broadcast_in_dim3A_403 = arith.constant 0 : i32
    %broadcast_in_dim3A_404 = vector.broadcast %broadcast_in_dim3A_403 : i32 to vector<16xi32>
    %swap3A_405 = arith.constant 17072 : index
    %swap3A_406 = tpu.vector_load %arg14[%swap3A_405] {strides = array<i32>} : memref<17408xi32, #tpu.memory_space<vmem>>, vector<16xi32>,
    tpu.vector_store %arg14[%swap3A_405], %broadcast_in_dim3A_404 {strides = array<i32>} : memref<17408xi32, #tpu.memory_space<vmem>>, vector<16xi32>,
    %broadcast_in_dim3A_407 = arith.constant 0 : i32
    %broadcast_in_dim3A_408 = vector.broadcast %broadcast_in_dim3A_407 : i32 to vector<16xi32>
    %swap3A_409 = arith.constant 17088 : index
    %swap3A_410 = tpu.vector_load %arg14[%swap3A_409] {strides = array<i32>} : memref<17408xi32, #tpu.memory_space<vmem>>, vector<16xi32>,
    tpu.vector_store %arg14[%swap3A_409], %broadcast_in_dim3A_408 {strides = array<i32>} : memref<17408xi32, #tpu.memory_space<vmem>>, vector<16xi32>,
    %broadcast_in_dim3A_411 = arith.constant 0 : i32
    %broadcast_in_dim3A_412 = vector.broadcast %broadcast_in_dim3A_411 : i32 to vector<16xi32>
    %swap3A_413 = arith.constant 17104 : index
    %swap3A_414 = tpu.vector_load %arg14[%swap3A_413] {strides = array<i32>} : memref<17408xi32, #tpu.memory_space<vmem>>, vector<16xi32>,
    tpu.vector_store %arg14[%swap3A_413], %broadcast_in_dim3A_412 {strides = array<i32>} : memref<17408xi32, #tpu.memory_space<vmem>>, vector<16xi32>,
    %broadcast_in_dim3A_415 = arith.constant 0 : i32
    %broadcast_in_dim3A_416 = vector.broadcast %broadcast_in_dim3A_415 : i32 to vector<16xi32>
    %swap3A_417 = arith.constant 17120 : index
    %swap3A_418 = tpu.vector_load %arg14[%swap3A_417] {strides = array<i32>} : memref<17408xi32, #tpu.memory_space<vmem>>, vector<16xi32>,
    tpu.vector_store %arg14[%swap3A_417], %broadcast_in_dim3A_416 {strides = array<i32>} : memref<17408xi32, #tpu.memory_space<vmem>>, vector<16xi32>,
    %broadcast_in_dim3A_419 = arith.constant 0 : i32
    %broadcast_in_dim3A_420 = vector.broadcast %broadcast_in_dim3A_419 : i32 to vector<16xi32>
    %swap3A_421 = arith.constant 17136 : index
    %swap3A_422 = tpu.vector_load %arg14[%swap3A_421] {strides = array<i32>} : memref<17408xi32, #tpu.memory_space<vmem>>, vector<16xi32>,
    tpu.vector_store %arg14[%swap3A_421], %broadcast_in_dim3A_420 {strides = array<i32>} : memref<17408xi32, #tpu.memory_space<vmem>>, vector<16xi32>,
    %broadcast_in_dim3A_423 = arith.constant 0 : i32
    %broadcast_in_dim3A_424 = vector.broadcast %broadcast_in_dim3A_423 : i32 to vector<16xi32>
    %swap3A_425 = arith.constant 17152 : index
    %swap3A_426 = tpu.vector_load %arg14[%swap3A_425] {strides = array<i32>} : memref<17408xi32, #tpu.memory_space<vmem>>, vector<16xi32>,
    tpu.vector_store %arg14[%swap3A_425], %broadcast_in_dim3A_424 {strides = array<i32>} : memref<17408xi32, #tpu.memory_space<vmem>>, vector<16xi32>,
    %broadcast_in_dim3A_427 = arith.constant 0 : i32
    %broadcast_in_dim3A_428 = vector.broadcast %broadcast_in_dim3A_427 : i32 to vector<16xi32>
    %swap3A_429 = arith.constant 17168 : index
    %swap3A_430 = tpu.vector_load %arg14[%swap3A_429] {strides = array<i32>} : memref<17408xi32, #tpu.memory_space<vmem>>, vector<16xi32>,
    tpu.vector_store %arg14[%swap3A_429], %broadcast_in_dim3A_428 {strides = array<i32>} : memref<17408xi32, #tpu.memory_space<vmem>>, vector<16xi32>,
    %broadcast_in_dim3A_431 = arith.constant 0 : i32
    %broadcast_in_dim3A_432 = vector.broadcast %broadcast_in_dim3A_431 : i32 to vector<16xi32>
    %swap3A_433 = arith.constant 17184 : index
    %swap3A_434 = tpu.vector_load %arg14[%swap3A_433] {strides = array<i32>} : memref<17408xi32, #tpu.memory_space<vmem>>, vector<16xi32>,
    tpu.vector_store %arg14[%swap3A_433], %broadcast_in_dim3A_432 {strides = array<i32>} : memref<17408xi32, #tpu.memory_space<vmem>>, vector<16xi32>,
    %broadcast_in_dim3A_435 = arith.constant 0 : i32
    %broadcast_in_dim3A_436 = vector.broadcast %broadcast_in_dim3A_435 : i32 to vector<16xi32>
    %swap3A_437 = arith.constant 17200 : index
    %swap3A_438 = tpu.vector_load %arg14[%swap3A_437] {strides = array<i32>} : memref<17408xi32, #tpu.memory_space<vmem>>, vector<16xi32>,
    tpu.vector_store %arg14[%swap3A_437], %broadcast_in_dim3A_436 {strides = array<i32>} : memref<17408xi32, #tpu.memory_space<vmem>>, vector<16xi32>,
    %broadcast_in_dim3A_439 = arith.constant 0 : i32
    %broadcast_in_dim3A_440 = vector.broadcast %broadcast_in_dim3A_439 : i32 to vector<16xi32>
    %swap3A_441 = arith.constant 17216 : index
    %swap3A_442 = tpu.vector_load %arg14[%swap3A_441] {strides = array<i32>} : memref<17408xi32, #tpu.memory_space<vmem>>, vector<16xi32>,
    tpu.vector_store %arg14[%swap3A_441], %broadcast_in_dim3A_440 {strides = array<i32>} : memref<17408xi32, #tpu.memory_space<vmem>>, vector<16xi32>,
    %broadcast_in_dim3A_443 = arith.constant 0 : i32
    %broadcast_in_dim3A_444 = vector.broadcast %broadcast_in_dim3A_443 : i32 to vector<16xi32>
    %swap3A_445 = arith.constant 17232 : index
    %swap3A_446 = tpu.vector_load %arg14[%swap3A_445] {strides = array<i32>} : memref<17408xi32, #tpu.memory_space<vmem>>, vector<16xi32>,
    tpu.vector_store %arg14[%swap3A_445], %broadcast_in_dim3A_444 {strides = array<i32>} : memref<17408xi32, #tpu.memory_space<vmem>>, vector<16xi32>,
    %broadcast_in_dim3A_447 = arith.constant 0 : i32
    %broadcast_in_dim3A_448 = vector.broadcast %broadcast_in_dim3A_447 : i32 to vector<16xi32>
    %swap3A_449 = arith.constant 17248 : index
    %swap3A_450 = tpu.vector_load %arg14[%swap3A_449] {strides = array<i32>} : memref<17408xi32, #tpu.memory_space<vmem>>, vector<16xi32>,
    tpu.vector_store %arg14[%swap3A_449], %broadcast_in_dim3A_448 {strides = array<i32>} : memref<17408xi32, #tpu.memory_space<vmem>>, vector<16xi32>,
    %broadcast_in_dim3A_451 = arith.constant 0 : i32
    %broadcast_in_dim3A_452 = vector.broadcast %broadcast_in_dim3A_451 : i32 to vector<16xi32>
    %swap3A_453 = arith.constant 17264 : index
    %swap3A_454 = tpu.vector_load %arg14[%swap3A_453] {strides = array<i32>} : memref<17408xi32, #tpu.memory_space<vmem>>, vector<16xi32>,
    tpu.vector_store %arg14[%swap3A_453], %broadcast_in_dim3A_452 {strides = array<i32>} : memref<17408xi32, #tpu.memory_space<vmem>>, vector<16xi32>,
    %broadcast_in_dim3A_455 = arith.constant 0 : i32
    %broadcast_in_dim3A_456 = vector.broadcast %broadcast_in_dim3A_455 : i32 to vector<16xi32>
    %swap3A_457 = arith.constant 17280 : index
    %swap3A_458 = tpu.vector_load %arg14[%swap3A_457] {strides = array<i32>} : memref<17408xi32, #tpu.memory_space<vmem>>, vector<16xi32>,
    tpu.vector_store %arg14[%swap3A_457], %broadcast_in_dim3A_456 {strides = array<i32>} : memref<17408xi32, #tpu.memory_space<vmem>>, vector<16xi32>,
    %broadcast_in_dim3A_459 = arith.constant 0 : i32
    %broadcast_in_dim3A_460 = vector.broadcast %broadcast_in_dim3A_459 : i32 to vector<16xi32>
    %swap3A_461 = arith.constant 17296 : index
    %swap3A_462 = tpu.vector_load %arg14[%swap3A_461] {strides = array<i32>} : memref<17408xi32, #tpu.memory_space<vmem>>, vector<16xi32>,
    tpu.vector_store %arg14[%swap3A_461], %broadcast_in_dim3A_460 {strides = array<i32>} : memref<17408xi32, #tpu.memory_space<vmem>>, vector<16xi32>,
    %broadcast_in_dim3A_463 = arith.constant 0 : i32
    %broadcast_in_dim3A_464 = vector.broadcast %broadcast_in_dim3A_463 : i32 to vector<16xi32>
    %swap3A_465 = arith.constant 17312 : index
    %swap3A_466 = tpu.vector_load %arg14[%swap3A_465] {strides = array<i32>} : memref<17408xi32, #tpu.memory_space<vmem>>, vector<16xi32>,
    tpu.vector_store %arg14[%swap3A_465], %broadcast_in_dim3A_464 {strides = array<i32>} : memref<17408xi32, #tpu.memory_space<vmem>>, vector<16xi32>,
    %broadcast_in_dim3A_467 = arith.constant 0 : i32
    %broadcast_in_dim3A_468 = vector.broadcast %broadcast_in_dim3A_467 : i32 to vector<16xi32>
    %swap3A_469 = arith.constant 17328 : index
    %swap3A_470 = tpu.vector_load %arg14[%swap3A_469] {strides = array<i32>} : memref<17408xi32, #tpu.memory_space<vmem>>, vector<16xi32>,
    tpu.vector_store %arg14[%swap3A_469], %broadcast_in_dim3A_468 {strides = array<i32>} : memref<17408xi32, #tpu.memory_space<vmem>>, vector<16xi32>,
    %broadcast_in_dim3A_471 = arith.constant 0 : i32
    %broadcast_in_dim3A_472 = vector.broadcast %broadcast_in_dim3A_471 : i32 to vector<16xi32>
    %swap3A_473 = arith.constant 17344 : index
    %swap3A_474 = tpu.vector_load %arg14[%swap3A_473] {strides = array<i32>} : memref<17408xi32, #tpu.memory_space<vmem>>, vector<16xi32>,
    tpu.vector_store %arg14[%swap3A_473], %broadcast_in_dim3A_472 {strides = array<i32>} : memref<17408xi32, #tpu.memory_space<vmem>>, vector<16xi32>,
    %broadcast_in_dim3A_475 = arith.constant 0 : i32
    %broadcast_in_dim3A_476 = vector.broadcast %broadcast_in_dim3A_475 : i32 to vector<16xi32>
    %swap3A_477 = arith.constant 17360 : index
    %swap3A_478 = tpu.vector_load %arg14[%swap3A_477] {strides = array<i32>} : memref<17408xi32, #tpu.memory_space<vmem>>, vector<16xi32>,
    tpu.vector_store %arg14[%swap3A_477], %broadcast_in_dim3A_476 {strides = array<i32>} : memref<17408xi32, #tpu.memory_space<vmem>>, vector<16xi32>,
    %broadcast_in_dim3A_479 = arith.constant 0 : i32
    %broadcast_in_dim3A_480 = vector.broadcast %broadcast_in_dim3A_479 : i32 to vector<16xi32>
    %swap3A_481 = arith.constant 17376 : index
    %swap3A_482 = tpu.vector_load %arg14[%swap3A_481] {strides = array<i32>} : memref<17408xi32, #tpu.memory_space<vmem>>, vector<16xi32>,
    tpu.vector_store %arg14[%swap3A_481], %broadcast_in_dim3A_480 {strides = array<i32>} : memref<17408xi32, #tpu.memory_space<vmem>>, vector<16xi32>,
    %broadcast_in_dim3A_483 = arith.constant 0 : i32
    %broadcast_in_dim3A_484 = vector.broadcast %broadcast_in_dim3A_483 : i32 to vector<16xi32>
    %swap3A_485 = arith.constant 17392 : index
    %swap3A_486 = tpu.vector_load %arg14[%swap3A_485] {strides = array<i32>} : memref<17408xi32, #tpu.memory_space<vmem>>, vector<16xi32>,
    tpu.vector_store %arg14[%swap3A_485], %broadcast_in_dim3A_484 {strides = array<i32>} : memref<17408xi32, #tpu.memory_space<vmem>>, vector<16xi32>,
    %dma_wait3A_487 = arith.constant 0 : i32
    %dma_wait3A_488 = tpu.memref_slice %arg3[%add3A, %dma_wait3A_487] : memref<32x100000xf32, #tpu.memory_space<hbm>> -> memref<1x100000xf32, #tpu.memory_space<hbm>>
    %dma_wait3A_489 = tpu.memref_squeeze %dma_wait3A_488 : memref<1x100000xf32, #tpu.memory_space<hbm>> -> memref<100000xf32, #tpu.memory_space<hbm>>
    %dma_wait3A_490 = arith.constant 0 : i32
    %dma_wait3A_491 = tpu.memref_slice %arg3[%add3A, %dma_wait3A_490] : memref<32x100000xf32, #tpu.memory_space<hbm>> -> memref<1x100000xf32, #tpu.memory_space<hbm>>
    %dma_wait3A_492 = tpu.memref_squeeze %dma_wait3A_491 : memref<1x100000xf32, #tpu.memory_space<hbm>> -> memref<100000xf32, #tpu.memory_space<hbm>>
    tpu.wait_dma2 semaphore(%arg16 : memref<!tpu.dma_semaphore, #tpu.memory_space<semaphore_mem>>) src(%dma_wait3A_492 : memref<100000xf32, #tpu.memory_space<hbm>>) dst(%arg13 : memref<100000xf32, #tpu.memory_space<vmem>>)
    %dma_wait3A_493 = arith.constant 0 : i32
    %dma_wait3A_494 = tpu.memref_slice %arg15[%dma_wait3A_493] : memref<8704xf32, #tpu.memory_space<vmem>> -> memref<8704xf32, #tpu.memory_space<vmem>>
    %dma_wait3A_495 = arith.constant 8704 : i32
    %dma_wait3A_496 = tpu.memref_slice %arg10[%add3A, %dma_wait3A_495] : memref<32x17408xf32, #tpu.memory_space<hbm>> -> memref<1x8704xf32, #tpu.memory_space<hbm>>
    %dma_wait3A_497 = tpu.memref_squeeze %dma_wait3A_496 : memref<1x8704xf32, #tpu.memory_space<hbm>> -> memref<8704xf32, #tpu.memory_space<hbm>>
    %dma_wait3A_498 = arith.constant 8704 : i32
    %dma_wait3A_499 = tpu.memref_slice %arg10[%add3A, %dma_wait3A_498] : memref<32x17408xf32, #tpu.memory_space<hbm>> -> memref<1x8704xf32, #tpu.memory_space<hbm>>
    %dma_wait3A_500 = tpu.memref_squeeze %dma_wait3A_499 : memref<1x8704xf32, #tpu.memory_space<hbm>> -> memref<8704xf32, #tpu.memory_space<hbm>>
    %dma_wait3A_501 = arith.constant 0 : i32
    %dma_wait3A_502 = tpu.memref_slice %arg15[%dma_wait3A_501] : memref<8704xf32, #tpu.memory_space<vmem>> -> memref<8704xf32, #tpu.memory_space<vmem>>
    tpu.wait_dma2 semaphore(%arg18 : memref<!tpu.dma_semaphore, #tpu.memory_space<semaphore_mem>>) src(%dma_wait3A_502 : memref<8704xf32, #tpu.memory_space<vmem>>) dst(%dma_wait3A_500 : memref<8704xf32, #tpu.memory_space<hbm>>)
    %parallel_loop3A_503 = arith.constant 0 : i32
    %parallel_loop3A_504 = arith.constant 8704 : i32
    %parallel_loop3A_505 = arith.constant 16 : i32
    scf.for %parallel_loop3A_575 = %parallel_loop3A_503 to %parallel_loop3A_504 step %parallel_loop3A_505  : i32 {
      %parallel_loop3A_576 = arith.constant 0 : i32
      %parallel_loop3A_577 = arith.addi %parallel_loop3A_576, %parallel_loop3A_575 : i32
      %parallel_loop3A_578 = arith.index_cast %parallel_loop3A_577 : i32 to index
      %parallel_loop3A_579 = tpu.vector_load %arg14[%parallel_loop3A_578] {strides = array<i32>} : memref<17408xi32, #tpu.memory_space<vmem>>, vector<16xi32>,
      %parallel_loop3A_580 = tpu.vector_load_idx %arg13[%parallel_loop3A_579] : memref<100000xf32, #tpu.memory_space<vmem>>[vector<16xi32>], vector<16xf32>,
      %parallel_loop3A_581 = arith.index_cast %parallel_loop3A_575 : i32 to index
      %parallel_loop3A_582 = tpu.vector_load %arg15[%parallel_loop3A_581] {strides = array<i32>} : memref<8704xf32, #tpu.memory_space<vmem>>, vector<16xf32>,
      tpu.vector_store %arg15[%parallel_loop3A_581], %parallel_loop3A_580 {strides = array<i32>} : memref<8704xf32, #tpu.memory_space<vmem>>, vector<16xf32>,
    } {sc.loop_unroll_factor = 16 : i64, sc.parallel_access}
    "tpu.region"() ({
      %run_scoped3A = tpu.sem_alloc : memref<!tpu.dma_semaphore, #tpu.memory_space<semaphore_mem>>
      %dma_start3A_575 = arith.constant 0 : i32
      %dma_start3A_576 = tpu.memref_slice %arg15[%dma_start3A_575] : memref<8704xf32, #tpu.memory_space<vmem>> -> memref<8704xf32, #tpu.memory_space<vmem>>
      %dma_start3A_577 = arith.constant 0 : i32
      %dma_start3A_578 = tpu.memref_slice %arg11[%add3A, %dma_start3A_577] : memref<32x17408xf32, #tpu.memory_space<hbm>> -> memref<1x8704xf32, #tpu.memory_space<hbm>>
      %dma_start3A_579 = tpu.memref_squeeze %dma_start3A_578 : memref<1x8704xf32, #tpu.memory_space<hbm>> -> memref<8704xf32, #tpu.memory_space<hbm>>
      %dma_start3A_580 = arith.constant 0 : i32
      %dma_start3A_581 = tpu.memref_slice %arg11[%add3A, %dma_start3A_580] : memref<32x17408xf32, #tpu.memory_space<hbm>> -> memref<1x8704xf32, #tpu.memory_space<hbm>>
      %dma_start3A_582 = tpu.memref_squeeze %dma_start3A_581 : memref<1x8704xf32, #tpu.memory_space<hbm>> -> memref<8704xf32, #tpu.memory_space<hbm>>
      %dma_start3A_583 = arith.constant 0 : i32
      %dma_start3A_584 = tpu.memref_slice %arg15[%dma_start3A_583] : memref<8704xf32, #tpu.memory_space<vmem>> -> memref<8704xf32, #tpu.memory_space<vmem>>
      tpu.enqueue_dma source(%dma_start3A_584 : memref<8704xf32, #tpu.memory_space<vmem>>) target(%dma_start3A_582 : memref<8704xf32, #tpu.memory_space<hbm>>) target_semaphore(%run_scoped3A : memref<!tpu.dma_semaphore, #tpu.memory_space<semaphore_mem>>)
      %dma_wait3A_585 = arith.constant 0 : i32
      %dma_wait3A_586 = tpu.memref_slice %arg15[%dma_wait3A_585] : memref<8704xf32, #tpu.memory_space<vmem>> -> memref<8704xf32, #tpu.memory_space<vmem>>
      %dma_wait3A_587 = arith.constant 0 : i32
      %dma_wait3A_588 = tpu.memref_slice %arg11[%add3A, %dma_wait3A_587] : memref<32x17408xf32, #tpu.memory_space<hbm>> -> memref<1x8704xf32, #tpu.memory_space<hbm>>
      %dma_wait3A_589 = tpu.memref_squeeze %dma_wait3A_588 : memref<1x8704xf32, #tpu.memory_space<hbm>> -> memref<8704xf32, #tpu.memory_space<hbm>>
      %dma_wait3A_590 = arith.constant 0 : i32
      %dma_wait3A_591 = tpu.memref_slice %arg11[%add3A, %dma_wait3A_590] : memref<32x17408xf32, #tpu.memory_space<hbm>> -> memref<1x8704xf32, #tpu.memory_space<hbm>>
      %dma_wait3A_592 = tpu.memref_squeeze %dma_wait3A_591 : memref<1x8704xf32, #tpu.memory_space<hbm>> -> memref<8704xf32, #tpu.memory_space<hbm>>
      %dma_wait3A_593 = arith.constant 0 : i32
      %dma_wait3A_594 = tpu.memref_slice %arg15[%dma_wait3A_593] : memref<8704xf32, #tpu.memory_space<vmem>> -> memref<8704xf32, #tpu.memory_space<vmem>>
      tpu.wait_dma2 semaphore(%run_scoped3A : memref<!tpu.dma_semaphore, #tpu.memory_space<semaphore_mem>>) src(%dma_wait3A_594 : memref<8704xf32, #tpu.memory_space<vmem>>) dst(%dma_wait3A_592 : memref<8704xf32, #tpu.memory_space<hbm>>)
      tpu.yield
    }) : () -> ()
    %parallel_loop3A_506 = arith.constant 0 : i32
    %parallel_loop3A_507 = arith.constant 8704 : i32
    %parallel_loop3A_508 = arith.constant 16 : i32
    scf.for %parallel_loop3A_575 = %parallel_loop3A_506 to %parallel_loop3A_507 step %parallel_loop3A_508  : i32 {
      %parallel_loop3A_576 = arith.constant 8704 : i32
      %parallel_loop3A_577 = arith.addi %parallel_loop3A_576, %parallel_loop3A_575 : i32
      %parallel_loop3A_578 = arith.index_cast %parallel_loop3A_577 : i32 to index
      %parallel_loop3A_579 = tpu.vector_load %arg14[%parallel_loop3A_578] {strides = array<i32>} : memref<17408xi32, #tpu.memory_space<vmem>>, vector<16xi32>,
      %parallel_loop3A_580 = tpu.vector_load_idx %arg13[%parallel_loop3A_579] : memref<100000xf32, #tpu.memory_space<vmem>>[vector<16xi32>], vector<16xf32>,
      %parallel_loop3A_581 = arith.index_cast %parallel_loop3A_575 : i32 to index
      %parallel_loop3A_582 = tpu.vector_load %arg15[%parallel_loop3A_581] {strides = array<i32>} : memref<8704xf32, #tpu.memory_space<vmem>>, vector<16xf32>,
      tpu.vector_store %arg15[%parallel_loop3A_581], %parallel_loop3A_580 {strides = array<i32>} : memref<8704xf32, #tpu.memory_space<vmem>>, vector<16xf32>,
    } {sc.loop_unroll_factor = 16 : i64, sc.parallel_access}
    %dma_start3A_509 = arith.constant 0 : i32
    %dma_start3A_510 = tpu.memref_slice %arg15[%dma_start3A_509] : memref<8704xf32, #tpu.memory_space<vmem>> -> memref<8704xf32, #tpu.memory_space<vmem>>
    %dma_start3A_511 = arith.constant 8704 : i32
    %dma_start3A_512 = tpu.memref_slice %arg11[%add3A, %dma_start3A_511] : memref<32x17408xf32, #tpu.memory_space<hbm>> -> memref<1x8704xf32, #tpu.memory_space<hbm>>
    %dma_start3A_513 = tpu.memref_squeeze %dma_start3A_512 : memref<1x8704xf32, #tpu.memory_space<hbm>> -> memref<8704xf32, #tpu.memory_space<hbm>>
    %dma_start3A_514 = arith.constant 8704 : i32
    %dma_start3A_515 = tpu.memref_slice %arg11[%add3A, %dma_start3A_514] : memref<32x17408xf32, #tpu.memory_space<hbm>> -> memref<1x8704xf32, #tpu.memory_space<hbm>>
    %dma_start3A_516 = tpu.memref_squeeze %dma_start3A_515 : memref<1x8704xf32, #tpu.memory_space<hbm>> -> memref<8704xf32, #tpu.memory_space<hbm>>
    %dma_start3A_517 = arith.constant 0 : i32
    %dma_start3A_518 = tpu.memref_slice %arg15[%dma_start3A_517] : memref<8704xf32, #tpu.memory_space<vmem>> -> memref<8704xf32, #tpu.memory_space<vmem>>
    tpu.enqueue_dma source(%dma_start3A_518 : memref<8704xf32, #tpu.memory_space<vmem>>) target(%dma_start3A_516 : memref<8704xf32, #tpu.memory_space<hbm>>) target_semaphore(%arg18 : memref<!tpu.dma_semaphore, #tpu.memory_space<semaphore_mem>>)
    %dma_start3A_519 = arith.constant 0 : i32
    %dma_start3A_520 = tpu.memref_slice %arg4[%add3A, %dma_start3A_519] : memref<32x100000xf32, #tpu.memory_space<hbm>> -> memref<1x100000xf32, #tpu.memory_space<hbm>>
    %dma_start3A_521 = tpu.memref_squeeze %dma_start3A_520 : memref<1x100000xf32, #tpu.memory_space<hbm>> -> memref<100000xf32, #tpu.memory_space<hbm>>
    %dma_start3A_522 = arith.constant 0 : i32
    %dma_start3A_523 = tpu.memref_slice %arg4[%add3A, %dma_start3A_522] : memref<32x100000xf32, #tpu.memory_space<hbm>> -> memref<1x100000xf32, #tpu.memory_space<hbm>>
    %dma_start3A_524 = tpu.memref_squeeze %dma_start3A_523 : memref<1x100000xf32, #tpu.memory_space<hbm>> -> memref<100000xf32, #tpu.memory_space<hbm>>
    tpu.enqueue_dma source(%dma_start3A_524 : memref<100000xf32, #tpu.memory_space<hbm>>) target(%arg13 : memref<100000xf32, #tpu.memory_space<vmem>>) target_semaphore(%arg16 : memref<!tpu.dma_semaphore, #tpu.memory_space<semaphore_mem>>)
    %dma_start3A_525 = arith.constant 0 : i32
    %dma_start3A_526 = tpu.memref_slice %arg14[%dma_start3A_525] : memref<17408xi32, #tpu.memory_space<vmem>> -> memref<16384xi32, #tpu.memory_space<vmem>>
    %dma_start3A_527 = arith.constant 0 : i32
    %dma_start3A_528 = tpu.memref_slice %arg14[%dma_start3A_527] : memref<17408xi32, #tpu.memory_space<vmem>> -> memref<16384xi32, #tpu.memory_space<vmem>>
    tpu.enqueue_dma source(%arg7 : memref<16384xi32, #tpu.memory_space<hbm>>) target(%dma_start3A_528 : memref<16384xi32, #tpu.memory_space<vmem>>) target_semaphore(%arg17 : memref<!tpu.dma_semaphore, #tpu.memory_space<semaphore_mem>>)
    %dma_wait3A_529 = arith.constant 0 : i32
    %dma_wait3A_530 = tpu.memref_slice %arg14[%dma_wait3A_529] : memref<17408xi32, #tpu.memory_space<vmem>> -> memref<16384xi32, #tpu.memory_space<vmem>>
    %dma_wait3A_531 = arith.constant 0 : i32
    %dma_wait3A_532 = tpu.memref_slice %arg14[%dma_wait3A_531] : memref<17408xi32, #tpu.memory_space<vmem>> -> memref<16384xi32, #tpu.memory_space<vmem>>
    tpu.wait_dma2 semaphore(%arg17 : memref<!tpu.dma_semaphore, #tpu.memory_space<semaphore_mem>>) src(%arg7 : memref<16384xi32, #tpu.memory_space<hbm>>) dst(%dma_wait3A_532 : memref<16384xi32, #tpu.memory_space<vmem>>)
    %dma_wait3A_533 = arith.constant 0 : i32
    %dma_wait3A_534 = tpu.memref_slice %arg4[%add3A, %dma_wait3A_533] : memref<32x100000xf32, #tpu.memory_space<hbm>> -> memref<1x100000xf32, #tpu.memory_space<hbm>>
    %dma_wait3A_535 = tpu.memref_squeeze %dma_wait3A_534 : memref<1x100000xf32, #tpu.memory_space<hbm>> -> memref<100000xf32, #tpu.memory_space<hbm>>
    %dma_wait3A_536 = arith.constant 0 : i32
    %dma_wait3A_537 = tpu.memref_slice %arg4[%add3A, %dma_wait3A_536] : memref<32x100000xf32, #tpu.memory_space<hbm>> -> memref<1x100000xf32, #tpu.memory_space<hbm>>
    %dma_wait3A_538 = tpu.memref_squeeze %dma_wait3A_537 : memref<1x100000xf32, #tpu.memory_space<hbm>> -> memref<100000xf32, #tpu.memory_space<hbm>>
    tpu.wait_dma2 semaphore(%arg16 : memref<!tpu.dma_semaphore, #tpu.memory_space<semaphore_mem>>) src(%dma_wait3A_538 : memref<100000xf32, #tpu.memory_space<hbm>>) dst(%arg13 : memref<100000xf32, #tpu.memory_space<vmem>>)
    %dma_wait3A_539 = arith.constant 0 : i32
    %dma_wait3A_540 = tpu.memref_slice %arg15[%dma_wait3A_539] : memref<8704xf32, #tpu.memory_space<vmem>> -> memref<8704xf32, #tpu.memory_space<vmem>>
    %dma_wait3A_541 = arith.constant 8704 : i32
    %dma_wait3A_542 = tpu.memref_slice %arg11[%add3A, %dma_wait3A_541] : memref<32x17408xf32, #tpu.memory_space<hbm>> -> memref<1x8704xf32, #tpu.memory_space<hbm>>
    %dma_wait3A_543 = tpu.memref_squeeze %dma_wait3A_542 : memref<1x8704xf32, #tpu.memory_space<hbm>> -> memref<8704xf32, #tpu.memory_space<hbm>>
    %dma_wait3A_544 = arith.constant 8704 : i32
    %dma_wait3A_545 = tpu.memref_slice %arg11[%add3A, %dma_wait3A_544] : memref<32x17408xf32, #tpu.memory_space<hbm>> -> memref<1x8704xf32, #tpu.memory_space<hbm>>
    %dma_wait3A_546 = tpu.memref_squeeze %dma_wait3A_545 : memref<1x8704xf32, #tpu.memory_space<hbm>> -> memref<8704xf32, #tpu.memory_space<hbm>>
    %dma_wait3A_547 = arith.constant 0 : i32
    %dma_wait3A_548 = tpu.memref_slice %arg15[%dma_wait3A_547] : memref<8704xf32, #tpu.memory_space<vmem>> -> memref<8704xf32, #tpu.memory_space<vmem>>
    tpu.wait_dma2 semaphore(%arg18 : memref<!tpu.dma_semaphore, #tpu.memory_space<semaphore_mem>>) src(%dma_wait3A_548 : memref<8704xf32, #tpu.memory_space<vmem>>) dst(%dma_wait3A_546 : memref<8704xf32, #tpu.memory_space<hbm>>)
    %parallel_loop3A_549 = arith.constant 0 : i32
    %parallel_loop3A_550 = arith.constant 8192 : i32
    %parallel_loop3A_551 = arith.constant 16 : i32
    scf.for %parallel_loop3A_575 = %parallel_loop3A_549 to %parallel_loop3A_550 step %parallel_loop3A_551  : i32 {
      %parallel_loop3A_576 = arith.constant 0 : i32
      %parallel_loop3A_577 = arith.addi %parallel_loop3A_576, %parallel_loop3A_575 : i32
      %parallel_loop3A_578 = arith.index_cast %parallel_loop3A_577 : i32 to index
      %parallel_loop3A_579 = tpu.vector_load %arg14[%parallel_loop3A_578] {strides = array<i32>} : memref<17408xi32, #tpu.memory_space<vmem>>, vector<16xi32>,
      %parallel_loop3A_580 = tpu.vector_load_idx %arg13[%parallel_loop3A_579] : memref<100000xf32, #tpu.memory_space<vmem>>[vector<16xi32>], vector<16xf32>,
      %parallel_loop3A_581 = arith.index_cast %parallel_loop3A_575 : i32 to index
      %parallel_loop3A_582 = tpu.vector_load %arg15[%parallel_loop3A_581] {strides = array<i32>} : memref<8704xf32, #tpu.memory_space<vmem>>, vector<16xf32>,
      tpu.vector_store %arg15[%parallel_loop3A_581], %parallel_loop3A_580 {strides = array<i32>} : memref<8704xf32, #tpu.memory_space<vmem>>, vector<16xf32>,
    } {sc.loop_unroll_factor = 16 : i64, sc.parallel_access}
    "tpu.region"() ({
      %run_scoped3A = tpu.sem_alloc : memref<!tpu.dma_semaphore, #tpu.memory_space<semaphore_mem>>
      %dma_start3A_575 = arith.constant 0 : i32
      %dma_start3A_576 = tpu.memref_slice %arg15[%dma_start3A_575] : memref<8704xf32, #tpu.memory_space<vmem>> -> memref<8192xf32, #tpu.memory_space<vmem>>
      %dma_start3A_577 = arith.constant 0 : i32
      %dma_start3A_578 = tpu.memref_slice %arg12[%add3A, %dma_start3A_577] : memref<32x16384xf32, #tpu.memory_space<hbm>> -> memref<1x8192xf32, #tpu.memory_space<hbm>>
      %dma_start3A_579 = tpu.memref_squeeze %dma_start3A_578 : memref<1x8192xf32, #tpu.memory_space<hbm>> -> memref<8192xf32, #tpu.memory_space<hbm>>
      %dma_start3A_580 = arith.constant 0 : i32
      %dma_start3A_581 = tpu.memref_slice %arg12[%add3A, %dma_start3A_580] : memref<32x16384xf32, #tpu.memory_space<hbm>> -> memref<1x8192xf32, #tpu.memory_space<hbm>>
      %dma_start3A_582 = tpu.memref_squeeze %dma_start3A_581 : memref<1x8192xf32, #tpu.memory_space<hbm>> -> memref<8192xf32, #tpu.memory_space<hbm>>
      %dma_start3A_583 = arith.constant 0 : i32
      %dma_start3A_584 = tpu.memref_slice %arg15[%dma_start3A_583] : memref<8704xf32, #tpu.memory_space<vmem>> -> memref<8192xf32, #tpu.memory_space<vmem>>
      tpu.enqueue_dma source(%dma_start3A_584 : memref<8192xf32, #tpu.memory_space<vmem>>) target(%dma_start3A_582 : memref<8192xf32, #tpu.memory_space<hbm>>) target_semaphore(%run_scoped3A : memref<!tpu.dma_semaphore, #tpu.memory_space<semaphore_mem>>)
      %dma_wait3A_585 = arith.constant 0 : i32
      %dma_wait3A_586 = tpu.memref_slice %arg15[%dma_wait3A_585] : memref<8704xf32, #tpu.memory_space<vmem>> -> memref<8192xf32, #tpu.memory_space<vmem>>
      %dma_wait3A_587 = arith.constant 0 : i32
      %dma_wait3A_588 = tpu.memref_slice %arg12[%add3A, %dma_wait3A_587] : memref<32x16384xf32, #tpu.memory_space<hbm>> -> memref<1x8192xf32, #tpu.memory_space<hbm>>
      %dma_wait3A_589 = tpu.memref_squeeze %dma_wait3A_588 : memref<1x8192xf32, #tpu.memory_space<hbm>> -> memref<8192xf32, #tpu.memory_space<hbm>>
      %dma_wait3A_590 = arith.constant 0 : i32
      %dma_wait3A_591 = tpu.memref_slice %arg12[%add3A, %dma_wait3A_590] : memref<32x16384xf32, #tpu.memory_space<hbm>> -> memref<1x8192xf32, #tpu.memory_space<hbm>>
      %dma_wait3A_592 = tpu.memref_squeeze %dma_wait3A_591 : memref<1x8192xf32, #tpu.memory_space<hbm>> -> memref<8192xf32, #tpu.memory_space<hbm>>
      %dma_wait3A_593 = arith.constant 0 : i32
      %dma_wait3A_594 = tpu.memref_slice %arg15[%dma_wait3A_593] : memref<8704xf32, #tpu.memory_space<vmem>> -> memref<8192xf32, #tpu.memory_space<vmem>>
      tpu.wait_dma2 semaphore(%run_scoped3A : memref<!tpu.dma_semaphore, #tpu.memory_space<semaphore_mem>>) src(%dma_wait3A_594 : memref<8192xf32, #tpu.memory_space<vmem>>) dst(%dma_wait3A_592 : memref<8192xf32, #tpu.memory_space<hbm>>)
      tpu.yield
    }) : () -> ()
    %parallel_loop3A_552 = arith.constant 0 : i32
    %parallel_loop3A_553 = arith.constant 8192 : i32
    %parallel_loop3A_554 = arith.constant 16 : i32
    scf.for %parallel_loop3A_575 = %parallel_loop3A_552 to %parallel_loop3A_553 step %parallel_loop3A_554  : i32 {
      %parallel_loop3A_576 = arith.constant 8192 : i32
      %parallel_loop3A_577 = arith.addi %parallel_loop3A_576, %parallel_loop3A_575 : i32
      %parallel_loop3A_578 = arith.index_cast %parallel_loop3A_577 : i32 to index
      %parallel_loop3A_579 = tpu.vector_load %arg14[%parallel_loop3A_578] {strides = array<i32>} : memref<17408xi32, #tpu.memory_space<vmem>>, vector<16xi32>,
      %parallel_loop3A_580 = tpu.vector_load_idx %arg13[%parallel_loop3A_579] : memref<100000xf32, #tpu.memory_space<vmem>>[vector<16xi32>], vector<16xf32>,
      %parallel_loop3A_581 = arith.index_cast %parallel_loop3A_575 : i32 to index
      %parallel_loop3A_582 = tpu.vector_load %arg15[%parallel_loop3A_581] {strides = array<i32>} : memref<8704xf32, #tpu.memory_space<vmem>>, vector<16xf32>,
      tpu.vector_store %arg15[%parallel_loop3A_581], %parallel_loop3A_580 {strides = array<i32>} : memref<8704xf32, #tpu.memory_space<vmem>>, vector<16xf32>,
    } {sc.loop_unroll_factor = 16 : i64, sc.parallel_access}
    %dma_start3A_555 = arith.constant 0 : i32
    %dma_start3A_556 = tpu.memref_slice %arg15[%dma_start3A_555] : memref<8704xf32, #tpu.memory_space<vmem>> -> memref<8192xf32, #tpu.memory_space<vmem>>
    %dma_start3A_557 = arith.constant 8192 : i32
    %dma_start3A_558 = tpu.memref_slice %arg12[%add3A, %dma_start3A_557] : memref<32x16384xf32, #tpu.memory_space<hbm>> -> memref<1x8192xf32, #tpu.memory_space<hbm>>
    %dma_start3A_559 = tpu.memref_squeeze %dma_start3A_558 : memref<1x8192xf32, #tpu.memory_space<hbm>> -> memref<8192xf32, #tpu.memory_space<hbm>>
    %dma_start3A_560 = arith.constant 8192 : i32
    %dma_start3A_561 = tpu.memref_slice %arg12[%add3A, %dma_start3A_560] : memref<32x16384xf32, #tpu.memory_space<hbm>> -> memref<1x8192xf32, #tpu.memory_space<hbm>>
    %dma_start3A_562 = tpu.memref_squeeze %dma_start3A_561 : memref<1x8192xf32, #tpu.memory_space<hbm>> -> memref<8192xf32, #tpu.memory_space<hbm>>
    %dma_start3A_563 = arith.constant 0 : i32
    %dma_start3A_564 = tpu.memref_slice %arg15[%dma_start3A_563] : memref<8704xf32, #tpu.memory_space<vmem>> -> memref<8192xf32, #tpu.memory_space<vmem>>
    tpu.enqueue_dma source(%dma_start3A_564 : memref<8192xf32, #tpu.memory_space<vmem>>) target(%dma_start3A_562 : memref<8192xf32, #tpu.memory_space<hbm>>) target_semaphore(%arg18 : memref<!tpu.dma_semaphore, #tpu.memory_space<semaphore_mem>>)
    %dma_wait3A_565 = arith.constant 0 : i32
    %dma_wait3A_566 = tpu.memref_slice %arg15[%dma_wait3A_565] : memref<8704xf32, #tpu.memory_space<vmem>> -> memref<8192xf32, #tpu.memory_space<vmem>>
    %dma_wait3A_567 = arith.constant 8192 : i32
    %dma_wait3A_568 = tpu.memref_slice %arg12[%add3A, %dma_wait3A_567] : memref<32x16384xf32, #tpu.memory_space<hbm>> -> memref<1x8192xf32, #tpu.memory_space<hbm>>
    %dma_wait3A_569 = tpu.memref_squeeze %dma_wait3A_568 : memref<1x8192xf32, #tpu.memory_space<hbm>> -> memref<8192xf32, #tpu.memory_space<hbm>>
    %dma_wait3A_570 = arith.constant 8192 : i32
    %dma_wait3A_571 = tpu.memref_slice %arg12[%add3A, %dma_wait3A_570] : memref<32x16384xf32, #tpu.memory_space<hbm>> -> memref<1x8192xf32, #tpu.memory_space<hbm>>
    %dma_wait3A_572 = tpu.memref_squeeze %dma_wait3A_571 : memref<1x8192xf32, #tpu.memory_space<hbm>> -> memref<8192xf32, #tpu.memory_space<hbm>>
    %dma_wait3A_573 = arith.constant 0 : i32
    %dma_wait3A_574 = tpu.memref_slice %arg15[%dma_wait3A_573] : memref<8704xf32, #tpu.memory_space<vmem>> -> memref<8192xf32, #tpu.memory_space<vmem>>
    tpu.wait_dma2 semaphore(%arg18 : memref<!tpu.dma_semaphore, #tpu.memory_space<semaphore_mem>>) src(%dma_wait3A_574 : memref<8192xf32, #tpu.memory_space<vmem>>) dst(%dma_wait3A_572 : memref<8192xf32, #tpu.memory_space<hbm>>)
    return
  }
}

module attributes {stable_mosaic.version = 14 : i64} {
  func.func @_tc_body(%arg0: i32, %arg1: memref<1x1x8192xi32, #tpu.memory_space<vmem>>, %arg2: memref<1x1x8192xi32, #tpu.memory_space<vmem>>, %arg3: memref<1x1xi32, #tpu.memory_space<smem>>, %arg4: memref<24x1xf32, #tpu.memory_space<vmem>>, %arg5: memref<32x8192xf32, #tpu.memory_space<vmem>>, %arg6: memref<32x8192xf32, #tpu.memory_space<vmem>>, %arg7: memref<32x8192xf32, #tpu.memory_space<vmem>>, %arg8: memref<16x8192xf32, #tpu.memory_space<vmem>>, %arg9: memref<32x1024xf32, #tpu.memory_space<vmem>>, %arg10: memref<32x1024xf32, #tpu.memory_space<vmem>>, %arg11: memref<1024x1xf32, #tpu.memory_space<vmem>>, %arg12: memref<64x32xbf16, #tpu.memory_space<vmem>>, %arg13: memref<64x32xbf16, #tpu.memory_space<vmem>>, %arg14: memref<16x32xf32, #tpu.memory_space<vmem>>, %arg15: memref<120x256xf32, #tpu.memory_space<vmem>>, %arg16: memref<256x1xf32, #tpu.memory_space<vmem>>, %arg17: memref<176x256xbf16, #tpu.memory_space<vmem>>, %arg18: memref<256x1xf32, #tpu.memory_space<vmem>>, %arg19: memref<256x256xf32, #tpu.memory_space<vmem>>, %arg20: memref<256x256xbf16, #tpu.memory_space<vmem>>, %arg21: memref<256x1xf32, #tpu.memory_space<vmem>>, %arg22: memref<256x1xf32, #tpu.memory_space<vmem>>, %arg23: memref<1x1xf32, #tpu.memory_space<vmem>>, %arg24: memref<1x8192xf32, #tpu.memory_space<vmem>>) attributes {dimension_semantics = [#tpu.dimension_semantics<arbitrary>], iteration_bounds = array<i64: 2>, scalar_prefetch = 0 : i64, scratch_operands = 0 : i64, tpu.core_type = #tpu.core_type<tc>, window_params = [{transform_indices = @transform_0, window_bounds = array<i64: 1, 1, 8192>}, {transform_indices = @transform_1, window_bounds = array<i64: 1, 1, 8192>}, {transform_indices = @transform_2, window_bounds = array<i64: 1, 1>}, {pipeline_mode = #tpu.pipeline_mode<synchronous>, transform_indices = @transform_3, window_bounds = array<i64: 24, 1>}, {transform_indices = @transform_4, window_bounds = array<i64: 32, 8192>}, {transform_indices = @transform_5, window_bounds = array<i64: 32, 8192>}, {transform_indices = @transform_6, window_bounds = array<i64: 32, 8192>}, {transform_indices = @transform_7, window_bounds = array<i64: 16, 8192>}, {transform_indices = @transform_8, window_bounds = array<i64: 32, 1024>}, {transform_indices = @transform_9, window_bounds = array<i64: 32, 1024>}, {pipeline_mode = #tpu.pipeline_mode<synchronous>, transform_indices = @transform_10, window_bounds = array<i64: 1024, 1>}, {pipeline_mode = #tpu.pipeline_mode<synchronous>, transform_indices = @transform_11, window_bounds = array<i64: 64, 32>}, {pipeline_mode = #tpu.pipeline_mode<synchronous>, transform_indices = @transform_12, window_bounds = array<i64: 64, 32>}, {pipeline_mode = #tpu.pipeline_mode<synchronous>, transform_indices = @transform_13, window_bounds = array<i64: 16, 32>}, {pipeline_mode = #tpu.pipeline_mode<synchronous>, transform_indices = @transform_14, window_bounds = array<i64: 120, 256>}, {pipeline_mode = #tpu.pipeline_mode<synchronous>, transform_indices = @transform_15, window_bounds = array<i64: 256, 1>}, {pipeline_mode = #tpu.pipeline_mode<synchronous>, transform_indices = @transform_16, window_bounds = array<i64: 176, 256>}, {pipeline_mode = #tpu.pipeline_mode<synchronous>, transform_indices = @transform_17, window_bounds = array<i64: 256, 1>}, {pipeline_mode = #tpu.pipeline_mode<synchronous>, transform_indices = @transform_18, window_bounds = array<i64: 256, 256>}, {pipeline_mode = #tpu.pipeline_mode<synchronous>, transform_indices = @transform_19, window_bounds = array<i64: 256, 256>}, {pipeline_mode = #tpu.pipeline_mode<synchronous>, transform_indices = @transform_20, window_bounds = array<i64: 256, 1>}, {pipeline_mode = #tpu.pipeline_mode<synchronous>, transform_indices = @transform_21, window_bounds = array<i64: 256, 1>}, {pipeline_mode = #tpu.pipeline_mode<synchronous>, transform_indices = @transform_22, window_bounds = array<i64: 1, 1>}, {transform_indices = @transform_23, window_bounds = array<i64: 1, 8192>}]} {
    %get3A = arith.constant 0 : index
    %get3A_0 = arith.constant 0 : index
    %get3A_1 = memref.load %arg3[%get3A, %get3A_0] : memref<1x1xi32, #tpu.memory_space<smem>>
    %iota3A = tpu.iota {dimensions = array<i32: 0>} : vector<16x1xi32>
    %eq3A = vector.broadcast %get3A_1 : i32 to vector<16x1xi32>
    %eq3A_2 = arith.cmpi eq, %iota3A, %eq3A : vector<16x1xi32>
    %convert_element_type3A = arith.extui %eq3A_2 : vector<16x1xi1> to vector<16x1xi32>
    %convert_element_type3A_3 = arith.sitofp %convert_element_type3A : vector<16x1xi32> to vector<16x1xf32>
    %get3A_4 = arith.constant 0 : index
    %get3A_5 = arith.constant 0 : index
    %get3A_6 = vector.load %arg14[%get3A_4, %get3A_5] : memref<16x32xf32, #tpu.memory_space<vmem>>, vector<16x32xf32>
    %dot_general3A = arith.constant dense<0.000000e+00> : vector<32x1xf32>
    %dot_general3A_7 = tpu.matmul %get3A_6, %convert_element_type3A_3, %dot_general3A {dimension_numbers = #tpu.dot_dimension_numbers<[0], [0], [1], [1], [0, 1, 1, 1], [], []>, transpose_lhs_hint = true} : vector<16x32xf32>, vector<16x1xf32>, vector<32x1xf32> -> vector<32x1xf32>
    %get3A_8 = arith.constant 0 : index
    %get3A_9 = arith.constant 0 : index
    %get3A_10 = vector.load %arg9[%get3A_8, %get3A_9] : memref<32x1024xf32, #tpu.memory_space<vmem>>, vector<32x1024xf32>
    %get3A_11 = arith.constant 0 : index
    %get3A_12 = arith.constant 0 : index
    %get3A_13 = vector.load %arg11[%get3A_11, %get3A_12] : memref<1024x1xf32, #tpu.memory_space<vmem>>, vector<1024x1xf32>
    %dot_general3A_14 = arith.constant dense<0.000000e+00> : vector<32x1xf32>
    %dot_general3A_15 = tpu.matmul %get3A_10, %get3A_13, %dot_general3A_14 {dimension_numbers = #tpu.dot_dimension_numbers<[1], [0], [0], [1], [0, 0, 1, 1], [], []>, transpose_lhs_hint = false} : vector<32x1024xf32>, vector<1024x1xf32>, vector<32x1xf32> -> vector<32x1xf32>
    %get3A_16 = arith.constant 0 : index
    %get3A_17 = arith.constant 0 : index
    %get3A_18 = vector.load %arg10[%get3A_16, %get3A_17] : memref<32x1024xf32, #tpu.memory_space<vmem>>, vector<32x1024xf32>
    %get3A_19 = arith.constant 0 : index
    %get3A_20 = arith.constant 0 : index
    %get3A_21 = vector.load %arg11[%get3A_19, %get3A_20] : memref<1024x1xf32, #tpu.memory_space<vmem>>, vector<1024x1xf32>
    %dot_general3A_22 = arith.constant dense<0.000000e+00> : vector<32x1xf32>
    %dot_general3A_23 = tpu.matmul %get3A_18, %get3A_21, %dot_general3A_22 {dimension_numbers = #tpu.dot_dimension_numbers<[1], [0], [0], [1], [0, 0, 1, 1], [], []>, transpose_lhs_hint = false} : vector<32x1024xf32>, vector<1024x1xf32>, vector<32x1xf32> -> vector<32x1xf32>
    %get3A_24 = arith.constant 0 : index
    %get3A_25 = arith.constant 0 : index
    %get3A_26 = vector.load %arg4[%get3A_24, %get3A_25] : memref<24x1xf32, #tpu.memory_space<vmem>>, vector<24x1xf32>
    %concatenate3A = tpu.concatenate %get3A_26, %dot_general3A_7, %dot_general3A_15, %dot_general3A_23 in 0 : vector<24x1xf32>, vector<32x1xf32>, vector<32x1xf32>, vector<32x1xf32> -> vector<120x1xf32>
    %get3A_27 = arith.constant 0 : index
    %get3A_28 = arith.constant 0 : index
    %get3A_29 = vector.load %arg15[%get3A_27, %get3A_28] : memref<120x256xf32, #tpu.memory_space<vmem>>, vector<120x256xf32>
    %dot_general3A_30 = arith.constant dense<0.000000e+00> : vector<256x1xf32>
    %dot_general3A_31 = tpu.matmul %get3A_29, %concatenate3A, %dot_general3A_30 {dimension_numbers = #tpu.dot_dimension_numbers<[0], [0], [1], [1], [0, 1, 1, 1], [], []>, transpose_lhs_hint = true} : vector<120x256xf32>, vector<120x1xf32>, vector<256x1xf32> -> vector<256x1xf32>
    %get3A_32 = arith.constant 0 : index
    %get3A_33 = arith.constant 0 : index
    %get3A_34 = vector.load %arg16[%get3A_32, %get3A_33] : memref<256x1xf32, #tpu.memory_space<vmem>>, vector<256x1xf32>
    %add3A = arith.addf %dot_general3A_31, %get3A_34 : vector<256x1xf32>
    %tanh3A = math.tanh %add3A : vector<256x1xf32>
    %get3A_35 = arith.constant 0 : index
    %get3A_36 = arith.constant 0 : index
    %get3A_37 = vector.load %arg19[%get3A_35, %get3A_36] : memref<256x256xf32, #tpu.memory_space<vmem>>, vector<256x256xf32>
    %dot_general3A_38 = arith.constant dense<0.000000e+00> : vector<256x1xf32>
    %dot_general3A_39 = tpu.matmul %get3A_37, %tanh3A, %dot_general3A_38 {dimension_numbers = #tpu.dot_dimension_numbers<[0], [0], [1], [1], [0, 1, 1, 1], [], []>, transpose_lhs_hint = true} : vector<256x256xf32>, vector<256x1xf32>, vector<256x1xf32> -> vector<256x1xf32>
    %iota3A_40 = tpu.iota {dimensions = array<i32: 0>} : vector<64x8192xi32>
    %get3A_41 = arith.constant 0 : index
    %get3A_42 = arith.constant 0 : index
    %get3A_43 = arith.constant 0 : index
    %get3A_44 = vector.load %arg1[%get3A_41, %get3A_42, %get3A_43] : memref<1x1x8192xi32, #tpu.memory_space<vmem>>, vector<1x1x8192xi32>
    %get3A_45 = vector.shape_cast %get3A_44 : vector<1x1x8192xi32> to vector<1x8192xi32>
    %eq3A_46 = vector.broadcast %get3A_45 : vector<1x8192xi32> to vector<64x8192xi32>
    %eq3A_47 = arith.cmpi eq, %iota3A_40, %eq3A_46 : vector<64x8192xi32>
    %convert_element_type3A_48 = arith.extui %eq3A_47 : vector<64x8192xi1> to vector<64x8192xi32>
    %convert_element_type3A_49 = arith.sitofp %convert_element_type3A_48 : vector<64x8192xi32> to vector<64x8192xf32>
    %convert_element_type3A_50 = arith.truncf %convert_element_type3A_49 : vector<64x8192xf32> to vector<64x8192xbf16>
    %iota3A_51 = tpu.iota {dimensions = array<i32: 0>} : vector<64x8192xi32>
    %get3A_52 = arith.constant 0 : index
    %get3A_53 = arith.constant 0 : index
    %get3A_54 = arith.constant 0 : index
    %get3A_55 = vector.load %arg2[%get3A_52, %get3A_53, %get3A_54] : memref<1x1x8192xi32, #tpu.memory_space<vmem>>, vector<1x1x8192xi32>
    %get3A_56 = vector.shape_cast %get3A_55 : vector<1x1x8192xi32> to vector<1x8192xi32>
    %eq3A_57 = vector.broadcast %get3A_56 : vector<1x8192xi32> to vector<64x8192xi32>
    %eq3A_58 = arith.cmpi eq, %iota3A_51, %eq3A_57 : vector<64x8192xi32>
    %convert_element_type3A_59 = arith.extui %eq3A_58 : vector<64x8192xi1> to vector<64x8192xi32>
    %convert_element_type3A_60 = arith.sitofp %convert_element_type3A_59 : vector<64x8192xi32> to vector<64x8192xf32>
    %convert_element_type3A_61 = arith.truncf %convert_element_type3A_60 : vector<64x8192xf32> to vector<64x8192xbf16>
    %get3A_62 = arith.constant 0 : index
    %get3A_63 = arith.constant 0 : index
    %get3A_64 = vector.load %arg12[%get3A_62, %get3A_63] : memref<64x32xbf16, #tpu.memory_space<vmem>>, vector<64x32xbf16>
    %dot_general3A_65 = arith.constant dense<0.000000e+00> : vector<32x8192xf32>
    %dot_general3A_66 = tpu.matmul %get3A_64, %convert_element_type3A_50, %dot_general3A_65 {dimension_numbers = #tpu.dot_dimension_numbers<[0], [0], [1], [1], [0, 1, 1, 1], [], []>, transpose_lhs_hint = true} : vector<64x32xbf16>, vector<64x8192xbf16>, vector<32x8192xf32> -> vector<32x8192xf32>
    %convert_element_type3A_67 = arith.truncf %dot_general3A_66 : vector<32x8192xf32> to vector<32x8192xbf16>
    %get3A_68 = arith.constant 0 : index
    %get3A_69 = arith.constant 0 : index
    %get3A_70 = vector.load %arg13[%get3A_68, %get3A_69] : memref<64x32xbf16, #tpu.memory_space<vmem>>, vector<64x32xbf16>
    %dot_general3A_71 = arith.constant dense<0.000000e+00> : vector<32x8192xf32>
    %dot_general3A_72 = tpu.matmul %get3A_70, %convert_element_type3A_61, %dot_general3A_71 {dimension_numbers = #tpu.dot_dimension_numbers<[0], [0], [1], [1], [0, 1, 1, 1], [], []>, transpose_lhs_hint = true} : vector<64x32xbf16>, vector<64x8192xbf16>, vector<32x8192xf32> -> vector<32x8192xf32>
    %convert_element_type3A_73 = arith.truncf %dot_general3A_72 : vector<32x8192xf32> to vector<32x8192xbf16>
    %get3A_74 = arith.constant 0 : index
    %get3A_75 = arith.constant 0 : index
    %get3A_76 = vector.load %arg5[%get3A_74, %get3A_75] : memref<32x8192xf32, #tpu.memory_space<vmem>>, vector<32x8192xf32>
    %convert_element_type3A_77 = arith.truncf %get3A_76 : vector<32x8192xf32> to vector<32x8192xbf16>
    %get3A_78 = arith.constant 0 : index
    %get3A_79 = arith.constant 0 : index
    %get3A_80 = vector.load %arg6[%get3A_78, %get3A_79] : memref<32x8192xf32, #tpu.memory_space<vmem>>, vector<32x8192xf32>
    %convert_element_type3A_81 = arith.truncf %get3A_80 : vector<32x8192xf32> to vector<32x8192xbf16>
    %get3A_82 = arith.constant 0 : index
    %get3A_83 = arith.constant 0 : index
    %get3A_84 = vector.load %arg7[%get3A_82, %get3A_83] : memref<32x8192xf32, #tpu.memory_space<vmem>>, vector<32x8192xf32>
    %convert_element_type3A_85 = arith.truncf %get3A_84 : vector<32x8192xf32> to vector<32x8192xbf16>
    %get3A_86 = arith.constant 0 : index
    %get3A_87 = arith.constant 0 : index
    %get3A_88 = vector.load %arg8[%get3A_86, %get3A_87] : memref<16x8192xf32, #tpu.memory_space<vmem>>, vector<16x8192xf32>
    %convert_element_type3A_89 = arith.truncf %get3A_88 : vector<16x8192xf32> to vector<16x8192xbf16>
    %concatenate3A_90 = tpu.concatenate %convert_element_type3A_67, %convert_element_type3A_73, %convert_element_type3A_77, %convert_element_type3A_81, %convert_element_type3A_85, %convert_element_type3A_89 in 0 : vector<32x8192xbf16>, vector<32x8192xbf16>, vector<32x8192xbf16>, vector<32x8192xbf16>, vector<32x8192xbf16>, vector<16x8192xbf16> -> vector<176x8192xbf16>
    %get3A_91 = arith.constant 0 : index
    %get3A_92 = arith.constant 0 : index
    %get3A_93 = vector.load %arg17[%get3A_91, %get3A_92] : memref<176x256xbf16, #tpu.memory_space<vmem>>, vector<176x256xbf16>
    %dot_general3A_94 = arith.constant dense<0.000000e+00> : vector<256x8192xf32>
    %dot_general3A_95 = tpu.matmul %get3A_93, %concatenate3A_90, %dot_general3A_94 {dimension_numbers = #tpu.dot_dimension_numbers<[0], [0], [1], [1], [0, 1, 1, 1], [], []>, transpose_lhs_hint = true} : vector<176x256xbf16>, vector<176x8192xbf16>, vector<256x8192xf32> -> vector<256x8192xf32>
    %get3A_96 = arith.constant 0 : index
    %get3A_97 = arith.constant 0 : index
    %get3A_98 = vector.load %arg18[%get3A_96, %get3A_97] : memref<256x1xf32, #tpu.memory_space<vmem>>, vector<256x1xf32>
    %add3A_99 = vector.broadcast %get3A_98 : vector<256x1xf32> to vector<256x8192xf32>
    %add3A_100 = arith.addf %dot_general3A_95, %add3A_99 : vector<256x8192xf32>
    %tanh3A_101 = math.tanh %add3A_100 : vector<256x8192xf32>
    %get3A_102 = arith.constant 0 : index
    %get3A_103 = arith.constant 0 : index
    %get3A_104 = vector.load %arg20[%get3A_102, %get3A_103] : memref<256x256xbf16, #tpu.memory_space<vmem>>, vector<256x256xbf16>
    %convert_element_type3A_105 = arith.truncf %tanh3A_101 : vector<256x8192xf32> to vector<256x8192xbf16>
    %dot_general3A_106 = arith.constant dense<0.000000e+00> : vector<256x8192xf32>
    %dot_general3A_107 = tpu.matmul %get3A_104, %convert_element_type3A_105, %dot_general3A_106 {dimension_numbers = #tpu.dot_dimension_numbers<[0], [0], [1], [1], [0, 1, 1, 1], [], []>, transpose_lhs_hint = true} : vector<256x256xbf16>, vector<256x8192xbf16>, vector<256x8192xf32> -> vector<256x8192xf32>
    %add3A_108 = vector.broadcast %dot_general3A_39 : vector<256x1xf32> to vector<256x8192xf32>
    %add3A_109 = arith.addf %dot_general3A_107, %add3A_108 : vector<256x8192xf32>
    %get3A_110 = arith.constant 0 : index
    %get3A_111 = arith.constant 0 : index
    %get3A_112 = vector.load %arg21[%get3A_110, %get3A_111] : memref<256x1xf32, #tpu.memory_space<vmem>>, vector<256x1xf32>
    %add3A_113 = vector.broadcast %get3A_112 : vector<256x1xf32> to vector<256x8192xf32>
    %add3A_114 = arith.addf %add3A_109, %add3A_113 : vector<256x8192xf32>
    %tanh3A_115 = math.tanh %add3A_114 : vector<256x8192xf32>
    %get3A_116 = arith.constant 0 : index
    %get3A_117 = arith.constant 0 : index
    %get3A_118 = vector.load %arg22[%get3A_116, %get3A_117] : memref<256x1xf32, #tpu.memory_space<vmem>>, vector<256x1xf32>
    %convert_element_type3A_119 = arith.truncf %get3A_118 : vector<256x1xf32> to vector<256x1xbf16>
    %convert_element_type3A_120 = arith.truncf %tanh3A_115 : vector<256x8192xf32> to vector<256x8192xbf16>
    %dot_general3A_121 = arith.constant dense<0.000000e+00> : vector<1x8192xf32>
    %dot_general3A_122 = tpu.matmul %convert_element_type3A_119, %convert_element_type3A_120, %dot_general3A_121 {dimension_numbers = #tpu.dot_dimension_numbers<[0], [0], [1], [1], [0, 1, 1, 1], [], []>, transpose_lhs_hint = true} : vector<256x1xbf16>, vector<256x8192xbf16>, vector<1x8192xf32> -> vector<1x8192xf32>
    %get3A_123 = arith.constant 0 : index
    %get3A_124 = arith.constant 0 : index
    %get3A_125 = vector.load %arg23[%get3A_123, %get3A_124] : memref<1x1xf32, #tpu.memory_space<vmem>>, vector<1x1xf32>
    %add3A_126 = vector.broadcast %get3A_125 : vector<1x1xf32> to vector<1x8192xf32>
    %add3A_127 = arith.addf %dot_general3A_122, %add3A_126 : vector<1x8192xf32>
    %swap3A = arith.constant 0 : index
    %swap3A_128 = arith.constant 0 : index
    %swap3A_129 = vector.load %arg24[%swap3A, %swap3A_128] : memref<1x8192xf32, #tpu.memory_space<vmem>>, vector<1x8192xf32>
    tpu.vector_store %arg24[%swap3A, %swap3A_128], %add3A_127 {strides = array<i32>} : memref<1x8192xf32, #tpu.memory_space<vmem>>, vector<1x8192xf32>,
    return
  }
  func.func @transform_0(%arg0: i32) -> (i32, i32, i32) {
    %c0_i32 = arith.constant 0 : i32
    %c0_i32_0 = arith.constant 0 : i32
    %c0_i32_1 = arith.constant 0 : i32
    return %arg0, %c0_i32, %c0_i32_0 : i32, i32, i32
  }
  func.func @transform_1(%arg0: i32) -> (i32, i32, i32) {
    %c0_i32 = arith.constant 0 : i32
    %c0_i32_0 = arith.constant 0 : i32
    %c0_i32_1 = arith.constant 0 : i32
    return %arg0, %c0_i32, %c0_i32_0 : i32, i32, i32
  }
  func.func @transform_2(%arg0: i32) -> (i32, i32) {
    %c0_i32 = arith.constant 0 : i32
    %c0_i32_0 = arith.constant 0 : i32
    %c0_i32_1 = arith.constant 0 : i32
    return %c0_i32, %c0_i32_0 : i32, i32
  }
  func.func @transform_3(%arg0: i32) -> (i32, i32) {
    %c0_i32 = arith.constant 0 : i32
    %c0_i32_0 = arith.constant 0 : i32
    %c0_i32_1 = arith.constant 0 : i32
    return %c0_i32, %c0_i32_0 : i32, i32
  }
  func.func @transform_4(%arg0: i32) -> (i32, i32) {
    %c0_i32 = arith.constant 0 : i32
    %c0_i32_0 = arith.constant 0 : i32
    return %c0_i32, %arg0 : i32, i32
  }
  func.func @transform_5(%arg0: i32) -> (i32, i32) {
    %c0_i32 = arith.constant 0 : i32
    %c0_i32_0 = arith.constant 0 : i32
    return %c0_i32, %arg0 : i32, i32
  }
  func.func @transform_6(%arg0: i32) -> (i32, i32) {
    %c0_i32 = arith.constant 0 : i32
    %c0_i32_0 = arith.constant 0 : i32
    return %c0_i32, %arg0 : i32, i32
  }
  func.func @transform_7(%arg0: i32) -> (i32, i32) {
    %c0_i32 = arith.constant 0 : i32
    %c0_i32_0 = arith.constant 0 : i32
    return %c0_i32, %arg0 : i32, i32
  }
  func.func @transform_8(%arg0: i32) -> (i32, i32) {
    %c0_i32 = arith.constant 0 : i32
    %c16_i32 = arith.constant 16 : i32
    %c0_i32_0 = arith.constant 0 : i32
    return %c0_i32, %c16_i32 : i32, i32
  }
  func.func @transform_9(%arg0: i32) -> (i32, i32) {
    %c0_i32 = arith.constant 0 : i32
    %c16_i32 = arith.constant 16 : i32
    %c0_i32_0 = arith.constant 0 : i32
    return %c0_i32, %c16_i32 : i32, i32
  }
  func.func @transform_10(%arg0: i32) -> (i32, i32) {
    %c0_i32 = arith.constant 0 : i32
    %c0_i32_0 = arith.constant 0 : i32
    %c0_i32_1 = arith.constant 0 : i32
    return %c0_i32, %c0_i32_0 : i32, i32
  }
  func.func @transform_11(%arg0: i32) -> (i32, i32) {
    %c0_i32 = arith.constant 0 : i32
    %c0_i32_0 = arith.constant 0 : i32
    %c0_i32_1 = arith.constant 0 : i32
    return %c0_i32, %c0_i32_0 : i32, i32
  }
  func.func @transform_12(%arg0: i32) -> (i32, i32) {
    %c0_i32 = arith.constant 0 : i32
    %c0_i32_0 = arith.constant 0 : i32
    %c0_i32_1 = arith.constant 0 : i32
    return %c0_i32, %c0_i32_0 : i32, i32
  }
  func.func @transform_13(%arg0: i32) -> (i32, i32) {
    %c0_i32 = arith.constant 0 : i32
    %c0_i32_0 = arith.constant 0 : i32
    %c0_i32_1 = arith.constant 0 : i32
    return %c0_i32, %c0_i32_0 : i32, i32
  }
  func.func @transform_14(%arg0: i32) -> (i32, i32) {
    %c0_i32 = arith.constant 0 : i32
    %c0_i32_0 = arith.constant 0 : i32
    %c0_i32_1 = arith.constant 0 : i32
    return %c0_i32, %c0_i32_0 : i32, i32
  }
  func.func @transform_15(%arg0: i32) -> (i32, i32) {
    %c0_i32 = arith.constant 0 : i32
    %c0_i32_0 = arith.constant 0 : i32
    %c0_i32_1 = arith.constant 0 : i32
    return %c0_i32, %c0_i32_0 : i32, i32
  }
  func.func @transform_16(%arg0: i32) -> (i32, i32) {
    %c0_i32 = arith.constant 0 : i32
    %c0_i32_0 = arith.constant 0 : i32
    %c0_i32_1 = arith.constant 0 : i32
    return %c0_i32, %c0_i32_0 : i32, i32
  }
  func.func @transform_17(%arg0: i32) -> (i32, i32) {
    %c0_i32 = arith.constant 0 : i32
    %c0_i32_0 = arith.constant 0 : i32
    %c0_i32_1 = arith.constant 0 : i32
    return %c0_i32, %c0_i32_0 : i32, i32
  }
  func.func @transform_18(%arg0: i32) -> (i32, i32) {
    %c0_i32 = arith.constant 0 : i32
    %c0_i32_0 = arith.constant 0 : i32
    %c0_i32_1 = arith.constant 0 : i32
    return %c0_i32, %c0_i32_0 : i32, i32
  }
  func.func @transform_19(%arg0: i32) -> (i32, i32) {
    %c0_i32 = arith.constant 0 : i32
    %c0_i32_0 = arith.constant 0 : i32
    %c0_i32_1 = arith.constant 0 : i32
    return %c0_i32, %c0_i32_0 : i32, i32
  }
  func.func @transform_20(%arg0: i32) -> (i32, i32) {
    %c0_i32 = arith.constant 0 : i32
    %c0_i32_0 = arith.constant 0 : i32
    %c0_i32_1 = arith.constant 0 : i32
    return %c0_i32, %c0_i32_0 : i32, i32
  }
  func.func @transform_21(%arg0: i32) -> (i32, i32) {
    %c0_i32 = arith.constant 0 : i32
    %c0_i32_0 = arith.constant 0 : i32
    %c0_i32_1 = arith.constant 0 : i32
    return %c0_i32, %c0_i32_0 : i32, i32
  }
  func.func @transform_22(%arg0: i32) -> (i32, i32) {
    %c0_i32 = arith.constant 0 : i32
    %c0_i32_0 = arith.constant 0 : i32
    %c0_i32_1 = arith.constant 0 : i32
    return %c0_i32, %c0_i32_0 : i32, i32
  }
  func.func @transform_23(%arg0: i32) -> (i32, i32) {
    %c0_i32 = arith.constant 0 : i32
    %c0_i32_0 = arith.constant 0 : i32
    return %c0_i32, %arg0 : i32, i32
  }
}

</mosaic_0001>

<sc_bundles>
// kernel: kernel.4.cloned.1.call-start
scs
__scs_entry_jumppad:
0x0: {  	(pc) =	sbr.rel $0x88, $3  }
0x1: {  	(tag) =	ssettag $0x0;
	lr =	simm.s32 $0x1  }
0x2: {  	[smem:$0x3F89] =	sst lr;
	_ =	strace $0xD0000000  }
0x3: {  	_ = 	snop  }
0x4: {  	_ = 	snop  }
0x5: {  	_ = 	snop  }
0x6: {  	_ = 	snop  }
0x7: {  	_ = 	snop  }
__scs_overlays_trampoline_lowered:
0x8: {  	[smem:$0x3F98] =	sst s0  }
0x9: {  	[smem:$0x3F99] =	sst s1  }
0xa: {  	[smem:$0x3F9A] =	sst s2  }
0xb: {  	[smem:$0x3F9B] =	sst s3  }
0xc: {  	[smem:$0x3F9C] =	sst s4  }
0xd: {  	[smem:$0x3F9D] =	sst s5  }
0xe: {  	[smem:$0x3F9E] =	sst s6  }
0xf: {  	[smem:$0x3F9F] =	sst s7  }
0x10: {  	[smem:$0x3FA0] =	sst s8  }
0x11: {  	[smem:$0x3FA1] =	sst s9;
	s0 =	simm.s32 @!p0 $0x0  }
0x12: {  	s1 =	sld [smem:$0x3F87];
	s0 =	simm.s32 @p0 $0x1  }
0x13: {  	[smem:$0x3FA2] =	sst s0;
	s0 =	simm.s32 @!p1 $0x0  }
0x14: {  	s2 =	sld [smem:$0x3F86];
	s0 =	simm.s32 @p1 $0x1  }
0x15: {  	[smem:$0x3FA3] =	sst s0;
	s0 =	simm.s32 @!p2 $0x0  }
0x16: {  	s3 =	sld [smem:$0x3FDB];
	s0 =	simm.s32 @p2 $0x1  }
0x17: {  	s4 =	simm.s32 $0x1BF5;
	[smem:$0x3FA5] =	sst s0  }
0x18: {  	s0 =	sld [smem:$0x3F88];
	_ =	swait.ge [sflag:s4], $0x0  }
0x19: {  	s7 =	sld [smem:$0x3F89]  }
0x1a: {  	s8 =	sadd.s32 $0xFFFFE003, lr  }
0x1b: {  	s9 =	sadd.s32 $0xFFFFFEF7, lr;
	s5 =	simm.s32 $0xFFFFFFFF;
	p2 =	slt.u32 s8, $0xFFFFF086  }
0x1c: {  	p1 =	slt.u32 s9, $0xF7A;
	s5 =	simm.s32 @!p2 $0x0  }
0x1d: {  	s5 =	simm.s32 @p1 $0x1;
	p0 =	seq.s32 s7, s2  }
0x1e: {  	s7 =	smul.u32 @!p0 $0xF7A, s2;
	p2 =	seq.s32 @!p0 s5, $0x0  }
0x1f: {  	s9 =	smul.u32 $0xF7A, s1;
	s8 =	simm.s32 @!p0 $0x1BF5;
	p2 =	por !p2, p0  }
0x20: {  	[sflag:s8] =	ssyncset.s32 @!p0 $0xFFFFF086;
	s6 =	sadd.s32 @!p0 s3, s7;
	s7 =	simm.s32 @!p0 $0x108  }
0x21: {  	s3 =	sadd.s32 s3, s9;
	s6 =	sadd.s32 @!p0 $0x88, s6;
	s7 =	simm.s32 @p2 $0x1082  }
0x22: {  	[simem:s7], [sflag:s8] =	dma.local @!p0 [hbm:s6], $0xF7A  }
0x23: {  	s9 =	sor.u32 $0xD0000000, s2;
	s6 =	simm.s32 $0x108;
	_ =	swait.ge @!p0 [sflag:s8], $0x0  }
0x24: {  	s3 =	sadd.s32 $0x88, s3;
	s6 =	simm.s32 @!p1 $0x1082;
	[sflag:s4] =	ssyncset.s32 $0xFFFFF086  }
0x25: {  	[simem:s6], [sflag:s4] =	dma.local [hbm:s3], $0xF7A  }
0x26: {  	[smem:$0x3F89] =	sst s1;
	(tag) =	ssettag s2;
	_ =	strace s9  }
0x27: {  	s1 =	sld [smem:$0x3F99]  }
0x28: {  	s2 =	sld [smem:$0x3F9A]  }
0x29: {  	s4 =	sld [smem:$0x3F9C]  }
0x2a: {  	p0 =	seq.s32 s5, $0x0;
	s5 =	sld [smem:$0x3F9D]  }
0x2b: {  	s6 =	sld [smem:$0x3F9E]  }
0x2c: {  	s7 =	sld [smem:$0x3F9F]  }
0x2d: {  	s3 =	simm.s32 $0x108;
	s8 =	sld [smem:$0x3FA0]  }
0x2e: {  	s3 =	simm.s32 @!p0 $0x1082;
	s9 =	sld [smem:$0x3FA1]  }
0x2f: {  	lr =	sadd.s32 s0, s3;
	s0 =	sld [smem:$0x3F98]  }
0x30: {  	s3 =	sld [smem:$0x3F9B]  }
0x31: {  	[smem:$0x3FA4] =	sst s10  }
0x32: {  	s10 =	sld [smem:$0x3FA2];
	_ =	sdelay $0x3  }
0x33: {  	p0 =	seq.s32 s10, $0x1;
	s10 =	sld [smem:$0x3FA4];
	_ =	sdelay $0x3  }
0x34: {  	[smem:$0x3FA4] =	sst s10  }
0x35: {  	s10 =	sld [smem:$0x3FA3];
	_ =	sdelay $0x3  }
0x36: {  	p1 =	seq.s32 s10, $0x1;
	s10 =	sld [smem:$0x3FA4];
	_ =	sdelay $0x3  }
0x37: {  	[smem:$0x3FA4] =	sst s10  }
0x38: {  	s10 =	sld [smem:$0x3FA5]  }
0x39: {  	_ = 	snop;
	(pc) =	sbr.ind lr, $3  }
0x3a: {  	_ = 	snop  }
0x3b: {  	_ = 	snop  }
0x3c: {  	p2 =	seq.s32 s10, $0x1;
	s10 =	sld [smem:$0x3FA4]  }
0x3d: {  	_ =	shalt  }
0x3e: {  	_ =	shalt  }
0x3f: {  	_ =	shalt  }
0x40: {  	_ =	shalt  }
0x41: {  	_ =	shalt  }
0x42: {  	_ =	shalt  }
0x43: {  	_ =	shalt  }
0x44: {  	_ =	shalt  }
0x45: {  	_ =	shalt  }
0x46: {  	_ =	shalt  }
0x47: {  	_ =	shalt  }
0x48: {  	_ =	shalt  }
0x49: {  	_ =	shalt  }
0x4a: {  	_ =	shalt  }
0x4b: {  	_ =	shalt  }
0x4c: {  	_ =	shalt  }
0x4d: {  	_ =	shalt  }
0x4e: {  	_ =	shalt  }
0x4f: {  	_ =	shalt  }
0x50: {  	_ =	shalt  }
0x51: {  	_ =	shalt  }
0x52: {  	_ =	shalt  }
0x53: {  	_ =	shalt  }
0x54: {  	_ =	shalt  }
0x55: {  	_ =	shalt  }
0x56: {  	_ =	shalt  }
0x57: {  	_ =	shalt  }
0x58: {  	_ =	shalt  }
0x59: {  	_ =	shalt  }
0x5a: {  	_ =	shalt  }
0x5b: {  	_ =	shalt  }
0x5c: {  	_ =	shalt  }
0x5d: {  	_ =	shalt  }
0x5e: {  	_ =	shalt  }
0x5f: {  	_ =	shalt  }
0x60: {  	_ =	shalt  }
0x61: {  	_ =	shalt  }
0x62: {  	_ =	shalt  }
0x63: {  	_ =	shalt  }
0x64: {  	_ =	shalt  }
0x65: {  	_ =	shalt  }
0x66: {  	_ =	shalt  }
0x67: {  	_ =	shalt  }
0x68: {  	_ =	shalt  }
0x69: {  	_ =	shalt  }
0x6a: {  	_ =	shalt  }
0x6b: {  	_ =	shalt  }
0x6c: {  	_ =	shalt  }
0x6d: {  	_ =	shalt  }
0x6e: {  	_ =	shalt  }
0x6f: {  	_ =	shalt  }
0x70: {  	_ =	shalt  }
0x71: {  	_ =	shalt  }
0x72: {  	_ =	shalt  }
0x73: {  	_ =	shalt  }
0x74: {  	_ =	shalt  }
0x75: {  	_ =	shalt  }
0x76: {  	_ =	shalt  }
0x77: {  	_ =	shalt  }
0x78: {  	_ =	shalt  }
0x79: {  	_ =	shalt  }
0x7a: {  	_ =	shalt  }
0x7b: {  	_ =	shalt  }
0x7c: {  	_ =	shalt  }
0x7d: {  	_ =	shalt  }
0x7e: {  	_ =	shalt  }
0x7f: {  	_ =	shalt  }
0x80: {  	_ =	shalt  }
0x81: {  	_ =	shalt  }
0x82: {  	_ =	shalt  }
0x83: {  	_ =	shalt  }
0x84: {  	_ =	shalt  }
0x85: {  	_ =	shalt  }
0x86: {  	_ =	shalt  }
0x87: {  	_ =	shalt  }
.Lfunc_end0:
.L_simem_size_0:
called_computation_lowered:
.L_overlay_start_0:
0x88: {  	s2 =	sld [smem:$0x3FD9]  }
0x89: {  	s3 =	sld [smem:$0x3FFE];
	_ =	sdelay $0x1  }
0x8a: {  	s1 =	srdreg.scid  }
0x8b: {  	s0 =	sand.u32 $0x1, s1  }
0x8c: {  	s17 =	sshll.u32 s0, $0xA;
	s2 =	sadd.s32 s3, s2  }
0x8d: {  	s2 =	sadd.s32 s2, s17  }
0x8e: {  	[smem:$0x3FB0] =	sst s2  }
0x8f: {  	_ = 	snop  }
0x90: {  	s2 =	sld [smem:$0x3FC7]  }
0x91: {  	s18 =	sld [smem:$0x3FC6]  }
0x92: {  	s4 =	sld [smem:$0x3FC3]  }
0x93: {  	s5 =	sld [smem:$0x3FC2]  }
0x94: {  	s6 =	sld [smem:$0x3FC1]  }
0x95: {  	s7 =	sld [smem:$0x3FBF]  }
0x96: {  	s8 =	sld [smem:$0x3FBE]  }
0x97: {  	s9 =	sld [smem:$0x3FBD];
	(tm) =	ssettm $0x1  }
0x98: {  	s10 =	sld [smem:$0x3FFB];
	_ =	sdelay $0x3  }
0x99: {  	_ =	strace s10  }
0x9a: {  	s10 =	sld [smem:$0x3FFC];
	_ =	sdelay $0x3  }
0x9b: {  	_ =	strace s10  }
0x9c: {  	s10 =	sld [smem:$0x3FFD];
	_ =	sdelay $0x3  }
0x9d: {  	_ =	strace s10  }
0x9e: {  	_ =	strace $0x8FFFFFFF  }
0x9f: {  	s19 =	sld [smem:$0x3FDB];
	_ =	sdelay $0x1  }
0xa0: {  	s11 =	simm.s32 $_scs_section_size  }
0xa1: {  	s12 =	simm.s32 $_size__tile_overlayer_lowered;
	s13 =	simm.s32 $_tile_overlayer_lowered  }
0xa2: {  	s22 =	simm.s32 $0x1BFF;
	s21 =	sshll.u32 s13, $0x1;
	s10 =	sadd.s32 s11, s19  }
0xa3: {  	s14 =	simm.s32 $0x0;
	s20 =	sshll.u32 s12, $0x1;
	s12 =	sadd.s32 s21, s10  }
0xa4: {  	[timem:s14], [sflag:s22] =	dma.local [hbm:s12], s20  }
0xa5: {  	_ =	swait.ge [sflag:s22], s20  }
0xa6: {  	s11 =	ssub.s32 $0x0, s20;
	[sflag:s22] =	ssyncset.done $0x0  }
0xa7: {  	[sflag:s22] =	ssyncadd.s32 s11;
	_ =	sdelay $0x1  }
0xa8: {  	s23 =	simm.s32 $0x1B8B  }
0xa9: {  	_ =	swait.ge [sflag:s23], $0x1  }
0xaa: {  	[sflag:s23] =	ssyncset.done $0x0  }
0xab: {  	s25 =	simm.s32 $0x1B8E;
	s24 =	sld [smem:$0x3FFE];
	[sflag:s23] =	ssyncadd.s32 $0xFFFFFFFF  }
0xac: {  	s26 =	simm.s32 $execute0_lowered;
	[smem:$0x3FD2] =	sst s25  }
0xad: {  	s12 =	sshll.u32 s26, $0x1;
	_ =	strace $0x80000046;
	[dreg:$0x1] =	wrdreg $0xFFFFFFFF  }
0xae: {  	s28 =	simm.s32 $_size_execute0_lowered;
	s10 =	sadd.s32 s10, s12;
	[dreg:$0x0] =	wrdreg $0x0  }
0xaf: {  	s12 =	sshll.u32 s28, $0x1;
	[dreg:$0x2] =	wrdreg s10  }
0xb0: {  	[dreg:$0x3] =	wrdreg s12  }
0xb1: {  	[dreg:$0x4] =	wrdreg $0xC0  }
0xb2: {  	_ =	task [dreg:s14], $0x5FFFF  }
0xb3: {  	[dreg:$0x1] =	wrdreg $0xFFFFFFFF  }
0xb4: {  	[dreg:$0x0] =	wrdreg $0x60  }
0xb5: {  	[dreg:$0x2] =	wrdreg s7  }
0xb6: {  	[dreg:$0x3] =	wrdreg s8  }
0xb7: {  	[dreg:$0x4] =	wrdreg s9  }
0xb8: {  	[dreg:$0x5] =	wrdreg s4  }
0xb9: {  	[dreg:$0x6] =	wrdreg s5  }
0xba: {  	[dreg:$0x7] =	wrdreg s6  }
0xbb: {  	[dreg:$0x8] =	wrdreg s2  }
0xbc: {  	[dreg:$0x9] =	wrdreg s18  }
0xbd: {  	[dreg:$0xa] =	wrdreg s24  }
0xbe: {  	[dreg:$0xb] =	wrdreg $0x9  }
0xbf: {  	_ =	task.clear_ibuf [dreg:s14], $0xCFFFF;
	_ =	strace $0x90000046  }
0xc0: {  	s29 =	simm.s32 $0x9;
	_ =	strace $0x80000048  }
0xc1: {  	_ =	swait.ge [sflag:s29], $0x1  }
0xc2: {  	[sflag:s29] =	ssyncadd.s32 $0xFFFFFFFF  }
0xc3: {  	_ =	strace $0x90000048  }
0xc4: {  	_ =	sfence  }
0xc5: {  	s30 =	sld [smem:$0x0];
	_ =	sdelay $0x2  }
0xc6: {  	s31 =	sshll.u32 s1, $0xD;
	s1 =	sshrl.u32 s1, $0x2  }
0xc7: {  	s3 =	sand.u32 $0x4000, s31;
	s1 =	sadd.s32 s1, s30  }
0xc8: {  	s0 =	sor.u32 s3, s0;
	s1 =	sshll.u32 s1, $0x11  }
0xc9: {  	s0 =	sor.u32 s1, s0  }
0xca: {  	s0 =	sadd.s32 $0x8F2B, s0  }
0xcb: {  	[sflag:s0] =	ssyncadd.remote.s32 $0x1  }
0xcc: {  	_ =	sfence.sel $0xFFFF  }
0xcd: {  	[dreg:$0x0] =	wrdreg $0xFFFFFFFF;
	(pc) =	sbr.abs _section_cstart, $3  }
0xce: {  	[dreg:$0x1] =	wrdreg $0xFFFFFFFF  }
0xcf: {  	_ =	task.clear_ibuf [dreg:s14], $0x2FFFF;
	_ =	strace $0x9FFFFFFF  }
0xd0: {  	(tm) =	ssettm $0x7FFFFFFF  }
0xd1: {  	_ =	shalt  }
tec
execute0_lowered:
.L_overlay_start_1:
0x0: {  	(tag) =	ssettag $0x1  }
0x1: {  	s8 =	rddreg [dreg:$0x0]  }
0x2: {  	s11 =	rddreg [dreg:$0x1]  }
0x3: {  	s14 =	rddreg [dreg:$0x2]  }
0x4: {  	s1 =	rddreg [dreg:$0x3]  }
0x5: {  	s2 =	rddreg [dreg:$0x4]  }
0x6: {  	s3 =	rddreg [dreg:$0x5]  }
0x7: {  	s4 =	rddreg [dreg:$0x6]  }
0x8: {  	s5 =	rddreg [dreg:$0x7]  }
0x9: {  	s9 =	rddreg [dreg:$0x8]  }
0xa: {  	s0 =	rddreg [dreg:$0x9]  }
0xb: {  	s7 =	simm.s32 $0x0;
	s10 =	srdreg.scid;
	s6 =	stileid.u32  }
0xc: {  	s21 =	simm.s32 $0x1C700;
	s22 =	simm.s32 $0x2;
	s23 =	simm.s32 $0x1  }
0xd: {  	s28 =	simm.s32 $0x0;
	[smem:$0x7FF] =	sst s7;
	s10 =	sand.u32 $0x1, s10  }
0xe: {  	s12 =	sshll.u32 s6, $0x8;
	s13 =	sshrl.u32 s6, $0x2;
	s16 =	sadd.s32 $0x2A00, s9  }
0xf: {  	s18 =	sadd.s32 $0x13A00, s9;
	s15 =	sshll.u32 s10, $0x7;
	s12 =	sand.u32 $0x300, s12  }
0x10: {  	s24 =	sshll.u32 s13, $0x11;
	s17 =	smul.u32 $0xC3800, s13;
	s10 =	ssub.s32 $0x2, s10  }
0x11: {  	s13 =	smul.u32 $0x22000, s13;
	s12 =	sor.u32 s15, s12;
	s25 =	sshrl.u32 s10, $0x1  }
0x12: {  	_ =	strace $0x80000047;
	s15 =	sor.u32 s24, s12;
	s20 =	ssub.s32 s10, s25  }
0x13: {  	s26 =	sor.u32 s17, s12;
	s29 =	sor.u32 s13, s12;
	s24 =	simm.s32 $0x1CB00  }
0x14: {  	s25 =	simm.s32 $0x4;
	s15 =	sshrl.u32 s15, $0x3;
	s30 =	sshrl.u32 s26, $0x3  }
0x15: {  	s12 =	sshrl.u32 s29, $0x3;
	s10 =	sadd.s32 $0x11000, s29;
	s17 =	smax.u32 s20, $0x1  }
0x16: {  	s20 =	simm.s32 $0x18700;
	s26 =	simm.s32 $0x3;
	s19 =	sadd.s32 s15, s9  }
0x17: {  	s8 =	sadd.s32 s8, s30;
	s9 =	sadd.s32 s16, s12;
	s31 =	sshrl.u32 s10, $0x3  }
0x18: {  	s11 =	sadd.s32 s11, s30;
	s12 =	sadd.s32 s18, s12;
	s14 =	sadd.s32 s14, s30  }
0x19: {  	s10 =	sadd.s32 s16, s31;
	s13 =	sadd.s32 s18, s31;
	s15 =	sadd.s32 $0x24A00, s19  }
0x1a: {  	vm0 =	vmmov $0xff;
	v0 =	vimm.s32 $0x0;
	s16 =	sadd.s32 $0x26A00, s19;
	s18 =	simm.s32 $0x80;
	s19 =	simm.s32 $0x400  }
.LBB2_1:
0x1b: {  	[tilespmem:s7], [sflag:$0x1] =	stream.strided.gather [hbm4b:s8+s18], $0x18700, s19, s18, $0x38;
	[tilespmem:$0x1ED00] =	vst v63  }
0x1c: {  	_ = 	snop  }
0x1d: {  	[tilespmem:s20], [sflag:$0x2] =	stream.linear.gather [hbm4b:s1+s7], $0x4000, $0x38;
	[tilespmem:$0x1ED00] =	vst v63  }
0x1e: {  	_ = 	snop  }
0x1f: {  	[tilespmem:s21], [sflag:$0x2] =	stream.linear.gather [hbm4b:s4+s7], $0xC8, $0x38;
	[tilespmem:$0x1ED00] =	vst v63  }
0x20: {  	_ =	swait.ge [sflag:s22], $0x4000  }
0x21: {  	[sflag:s22] =	ssyncset.done $0x0  }
0x22: {  	[sflag:s22] =	ssyncadd.s32 $0xFFFFC000  }
0x23: {  	_ =	swait.ge [sflag:s22], $0xC8  }
0x24: {  	[sflag:s22] =	ssyncset.done $0x0  }
0x25: {  	[sflag:s22] =	ssyncadd.s32 $0xFFFFFF38  }
0x26: {  	[tilespmem:$0x1C7D0] =	vst v0  }
0x27: {  	[tilespmem:$0x1C7E0] =	vst v0  }
0x28: {  	[tilespmem:$0x1C7F0] =	vst v0  }
0x29: {  	[tilespmem:$0x1C800] =	vst v0  }
0x2a: {  	[tilespmem:$0x1C810] =	vst v0  }
0x2b: {  	[tilespmem:$0x1C820] =	vst v0  }
0x2c: {  	[tilespmem:$0x1C830] =	vst v0  }
0x2d: {  	[tilespmem:$0x1C840] =	vst v0  }
0x2e: {  	[tilespmem:$0x1C850] =	vst v0  }
0x2f: {  	[tilespmem:$0x1C860] =	vst v0  }
0x30: {  	[tilespmem:$0x1C870] =	vst v0  }
0x31: {  	[tilespmem:$0x1C880] =	vst v0  }
0x32: {  	[tilespmem:$0x1C890] =	vst v0  }
0x33: {  	[tilespmem:$0x1C8A0] =	vst v0  }
0x34: {  	[tilespmem:$0x1C8B0] =	vst v0  }
0x35: {  	[tilespmem:$0x1C8C0] =	vst v0  }
0x36: {  	[tilespmem:$0x1C8D0] =	vst v0  }
0x37: {  	[tilespmem:$0x1C8E0] =	vst v0  }
0x38: {  	[tilespmem:$0x1C8F0] =	vst v0  }
0x39: {  	[tilespmem:$0x1C900] =	vst v0  }
0x3a: {  	[tilespmem:$0x1C910] =	vst v0  }
0x3b: {  	[tilespmem:$0x1C920] =	vst v0  }
0x3c: {  	[tilespmem:$0x1C930] =	vst v0  }
0x3d: {  	[tilespmem:$0x1C940] =	vst v0  }
0x3e: {  	[tilespmem:$0x1C950] =	vst v0  }
0x3f: {  	[tilespmem:$0x1C960] =	vst v0  }
0x40: {  	[tilespmem:$0x1C970] =	vst v0  }
0x41: {  	[tilespmem:$0x1C980] =	vst v0  }
0x42: {  	[tilespmem:$0x1C990] =	vst v0  }
0x43: {  	[tilespmem:$0x1C9A0] =	vst v0  }
0x44: {  	[tilespmem:$0x1C9B0] =	vst v0  }
0x45: {  	[tilespmem:$0x1C9C0] =	vst v0  }
0x46: {  	[tilespmem:$0x1C9D0] =	vst v0  }
0x47: {  	[tilespmem:$0x1C9E0] =	vst v0  }
0x48: {  	[tilespmem:$0x1C9F0] =	vst v0  }
0x49: {  	[tilespmem:$0x1CA00] =	vst v0  }
0x4a: {  	[tilespmem:$0x1CA10] =	vst v0  }
0x4b: {  	[tilespmem:$0x1CA20] =	vst v0  }
0x4c: {  	[tilespmem:$0x1CA30] =	vst v0  }
0x4d: {  	[tilespmem:$0x1CA40] =	vst v0  }
0x4e: {  	[tilespmem:$0x1CA50] =	vst v0  }
0x4f: {  	[tilespmem:$0x1CA60] =	vst v0  }
0x50: {  	[tilespmem:$0x1CA70] =	vst v0  }
0x51: {  	[tilespmem:$0x1CA80] =	vst v0  }
0x52: {  	[tilespmem:$0x1CA90] =	vst v0  }
0x53: {  	v1 =	vld [tilespmem:$0x1C7C0];
	[tilespmem:$0x1CAA0] =	vst v0  }
0x54: {  	[tilespmem:$0x1CAB0] =	vst v0  }
0x55: {  	[tilespmem:$0x1CAC0] =	vst v0  }
0x56: {  	[tilespmem:$0x1CAD0] =	vst v0  }
0x57: {  	[tilespmem:$0x1CAE0] =	vst v0  }
0x58: {  	[tilespmem:$0x1CAF0] =	vst v0;
	v1 =	vnsel vm0, $0x0, v1  }
0x59: {  	[tilespmem:$0x1C7C0] =	vst v1  }
0x5a: {  	_ =	swait.ge [sflag:s23], $0x18700  }
0x5b: {  	[sflag:s23] =	ssyncset.done $0x0  }
0x5c: {  	s29 =	simm.s32 $0x18780;
	[sflag:s23] =	ssyncadd.s32 $0xFFFE7900  }
0x5d: {  	v1 =	vld [tilespmem:s29+$0x70]  }
0x5e: {  	v2 =	vld [tilespmem:s29+$0xFFFFFF90]  }
0x5f: {  	v3 =	vld [tilespmem:s29+$0xFFFFFFA0]  }
0x60: {  	v4 =	vld [tilespmem:s29+$0xFFFFFFB0]  }
0x61: {  	v5 =	vld [tilespmem:s29+$0xFFFFFFC0]  }
0x62: {  	v6 =	vld [tilespmem:s29+$0xFFFFFFD0]  }
0x63: {  	v7 =	vld [tilespmem:s29+$0xFFFFFFE0]  }
0x64: {  	v8 =	vld [tilespmem:s29+$0xFFFFFFF0]  }
0x65: {  	v9 =	vld [tilespmem:s29+$0x0]  }
0x66: {  	v10 =	vld [tilespmem:s29+$0x10]  }
0x67: {  	v11 =	vld [tilespmem:s29+$0x20]  }
0x68: {  	v12 =	vld [tilespmem:s29+$0x30]  }
0x69: {  	v13 =	vld [tilespmem:s29+$0x40]  }
0x6a: {  	v14 =	vld [tilespmem:s29+$0x50]  }
0x6b: {  	v15 =	vld [tilespmem:s29+$0x60]  }
0x6c: {  	v16 =	vld [tilespmem:s29+$0xFFFFFF80]  }
0x6d: {  	v1 =	vld.idx.msk [tilespmem:v1+s7+$0x0], $0xffff  }
0x6e: {  	v2 =	vld.idx.msk [tilespmem:v2+s7+$0x0], $0xffff  }
0x6f: {  	v3 =	vld.idx.msk [tilespmem:v3+s7+$0x0], $0xffff  }
0x70: {  	v4 =	vld.idx.msk [tilespmem:v4+s7+$0x0], $0xffff  }
0x71: {  	v5 =	vld.idx.msk [tilespmem:v5+s7+$0x0], $0xffff  }
0x72: {  	s29 =	simm.s32 $0x1CB80;
	v6 =	vld.idx.msk [tilespmem:v6+s7+$0x0], $0xffff  }
0x73: {  	v7 =	vld.idx.msk [tilespmem:v7+s7+$0x0], $0xffff;
	[tilespmem:s29+$0x70] =	vst v1  }
0x74: {  	v8 =	vld.idx.msk [tilespmem:v8+s7+$0x0], $0xffff;
	[tilespmem:s29+$0xFFFFFF90] =	vst v2  }
0x75: {  	v16 =	vld.idx.msk [tilespmem:v16+s7+$0x0], $0xffff;
	[tilespmem:s29+$0xFFFFFFA0] =	vst v3  }
0x76: {  	v9 =	vld.idx.msk [tilespmem:v9+s7+$0x0], $0xffff;
	[tilespmem:s29+$0xFFFFFFB0] =	vst v4  }
0x77: {  	[tilespmem:s29+$0xFFFFFFC0] =	vst v5;
	v1 =	vld.idx.msk [tilespmem:v10+s7+$0x0], $0xffff  }
0x78: {  	[tilespmem:s29+$0xFFFFFFD0] =	vst v6;
	v2 =	vld.idx.msk [tilespmem:v11+s7+$0x0], $0xffff  }
0x79: {  	[tilespmem:s29+$0xFFFFFFE0] =	vst v7;
	v3 =	vld.idx.msk [tilespmem:v12+s7+$0x0], $0xffff  }
0x7a: {  	[tilespmem:s29+$0xFFFFFFF0] =	vst v8;
	v4 =	vld.idx.msk [tilespmem:v13+s7+$0x0], $0xffff  }
0x7b: {  	[tilespmem:s29+$0xFFFFFF80] =	vst v16;
	v5 =	vld.idx.msk [tilespmem:v14+s7+$0x0], $0xffff  }
0x7c: {  	s30 =	simm.s32 $0x0;
	s31 =	simm.s32 $0x18880;
	[tilespmem:s29+$0x0] =	vst v9;
	v6 =	vld.idx.msk [tilespmem:v15+s7+$0x0], $0xffff  }
.LBB2_2:
0x7d: {  	v7 =	vld [tilespmem:s31+$0x70];
	s30 =	sadd.s32 $0x100, s30;
	[tilespmem:s29+$0x10] =	vst v1  }
0x7e: {  	v1 =	vld [tilespmem:s31+$0xFFFFFF90];
	p0 =	slt.u32 s30, $0x2100;
	[tilespmem:s29+$0x20] =	vst v2  }
0x7f: {  	v2 =	vld [tilespmem:s31+$0xFFFFFFA0];
	[tilespmem:s29+$0x30] =	vst v3  }
0x80: {  	v3 =	vld [tilespmem:s31+$0xFFFFFFB0];
	[tilespmem:s29+$0x40] =	vst v4  }
0x81: {  	v4 =	vld [tilespmem:s31+$0xFFFFFFC0];
	[tilespmem:s29+$0x50] =	vst v5  }
0x82: {  	v5 =	vld [tilespmem:s31+$0xFFFFFFD0];
	[tilespmem:s29+$0x60] =	vst v6  }
0x83: {  	v6 =	vld [tilespmem:s31+$0xFFFFFFE0]  }
0x84: {  	v8 =	vld [tilespmem:s31+$0xFFFFFFF0]  }
0x85: {  	v7 =	vld.idx.msk [tilespmem:v7+s7+$0x0], $0xffff  }
0x86: {  	v9 =	vld [tilespmem:s31+$0x0]  }
0x87: {  	v10 =	vld [tilespmem:s31+$0x10]  }
0x88: {  	v11 =	vld [tilespmem:s31+$0x20]  }
0x89: {  	v12 =	vld [tilespmem:s31+$0x30]  }
0x8a: {  	s29 =	sadd.s32 $0x100, s29;
	v13 =	vld [tilespmem:s31+$0x40]  }
0x8b: {  	v14 =	vld [tilespmem:s31+$0x50];
	[tilespmem:s29+$0x70] =	vst v7  }
0x8c: {  	v7 =	vld [tilespmem:s31+$0x60]  }
0x8d: {  	v15 =	vld [tilespmem:s31+$0xFFFFFF80]  }
0x8e: {  	v1 =	vld.idx.msk [tilespmem:v1+s7+$0x0], $0xffff  }
0x8f: {  	v2 =	vld.idx.msk [tilespmem:v2+s7+$0x0], $0xffff  }
0x90: {  	v3 =	vld.idx.msk [tilespmem:v3+s7+$0x0], $0xffff  }
0x91: {  	v4 =	vld.idx.msk [tilespmem:v4+s7+$0x0], $0xffff  }
0x92: {  	v5 =	vld.idx.msk [tilespmem:v5+s7+$0x0], $0xffff  }
0x93: {  	v6 =	vld.idx.msk [tilespmem:v6+s7+$0x0], $0xffff  }
0x94: {  	[tilespmem:s29+$0xFFFFFF90] =	vst v1;
	v8 =	vld.idx.msk [tilespmem:v8+s7+$0x0], $0xffff  }
0x95: {  	v15 =	vld.idx.msk [tilespmem:v15+s7+$0x0], $0xffff;
	[tilespmem:s29+$0xFFFFFFA0] =	vst v2  }
0x96: {  	[tilespmem:s29+$0xFFFFFFB0] =	vst v3;
	v9 =	vld.idx.msk [tilespmem:v9+s7+$0x0], $0xffff  }
0x97: {  	[tilespmem:s29+$0xFFFFFFC0] =	vst v4;
	v1 =	vld.idx.msk [tilespmem:v10+s7+$0x0], $0xffff  }
.Ltmp0:
0x98: {  	[tilespmem:s29+$0xFFFFFFD0] =	vst v5;
	v2 =	vld.idx.msk [tilespmem:v11+s7+$0x0], $0xffff;
	(pc) =	sbr.rel @p0 .LBB2_2-.Ltmp0, $4  }
0x99: {  	[tilespmem:s29+$0xFFFFFFE0] =	vst v6;
	v3 =	vld.idx.msk [tilespmem:v12+s7+$0x0], $0xffff  }
0x9a: {  	[tilespmem:s29+$0xFFFFFFF0] =	vst v8;
	v4 =	vld.idx.msk [tilespmem:v13+s7+$0x0], $0xffff  }
0x9b: {  	[tilespmem:s29+$0xFFFFFF80] =	vst v15;
	v5 =	vld.idx.msk [tilespmem:v14+s7+$0x0], $0xffff  }
0x9c: {  	s31 =	sadd.s32 $0x100, s31;
	[tilespmem:s29+$0x0] =	vst v9;
	v6 =	vld.idx.msk [tilespmem:v7+s7+$0x0], $0xffff  }
0x9d: {  	[tilespmem:s29+$0x10] =	vst v1  }
0x9e: {  	[tilespmem:s29+$0x20] =	vst v2  }
0x9f: {  	[tilespmem:s29+$0x30] =	vst v3  }
0xa0: {  	[tilespmem:s29+$0x40] =	vst v4  }
0xa1: {  	[tilespmem:s29+$0x50] =	vst v5  }
0xa2: {  	[tilespmem:s29+$0x60] =	vst v6  }
0xa3: {  	[hbm4b:s9+s18] =	stream.strided.scatter [tilespmem:s24], [sflag:$0x4], $0x2200, s19, s18, $0x38;
	[tilespmem:$0x1ED00] =	vst v63  }
0xa4: {  	_ =	swait.ge [sflag:s25], $0x2200  }
0xa5: {  	[sflag:s25] =	ssyncset.done $0x0  }
0xa6: {  	s29 =	simm.s32 $0x1A9F0;
	[sflag:s25] =	ssyncadd.s32 $0xFFFFDE00  }
0xa7: {  	v1 =	vld [tilespmem:s29+$0x0]  }
0xa8: {  	v2 =	vld [tilespmem:s29+$0xFFFFFF20]  }
0xa9: {  	v3 =	vld [tilespmem:s29+$0xFFFFFF30]  }
0xaa: {  	v4 =	vld [tilespmem:s29+$0xFFFFFF40]  }
0xab: {  	v5 =	vld [tilespmem:s29+$0xFFFFFF50]  }
0xac: {  	v6 =	vld [tilespmem:s29+$0xFFFFFF60]  }
0xad: {  	v7 =	vld [tilespmem:s29+$0xFFFFFF70]  }
0xae: {  	v8 =	vld [tilespmem:s29+$0xFFFFFF80]  }
0xaf: {  	v9 =	vld [tilespmem:s29+$0xFFFFFF90]  }
0xb0: {  	v10 =	vld [tilespmem:s29+$0xFFFFFFA0]  }
0xb1: {  	v11 =	vld [tilespmem:s29+$0xFFFFFFB0]  }
0xb2: {  	v12 =	vld [tilespmem:s29+$0xFFFFFFC0]  }
0xb3: {  	v13 =	vld [tilespmem:s29+$0xFFFFFFD0]  }
0xb4: {  	v14 =	vld [tilespmem:s29+$0xFFFFFFE0]  }
0xb5: {  	v15 =	vld [tilespmem:s29+$0xFFFFFFF0]  }
0xb6: {  	v16 =	vld [tilespmem:s29+$0xFFFFFF10]  }
0xb7: {  	v1 =	vld.idx.msk [tilespmem:v1+s7+$0x0], $0xffff  }
0xb8: {  	v2 =	vld.idx.msk [tilespmem:v2+s7+$0x0], $0xffff  }
0xb9: {  	v3 =	vld.idx.msk [tilespmem:v3+s7+$0x0], $0xffff  }
0xba: {  	v4 =	vld.idx.msk [tilespmem:v4+s7+$0x0], $0xffff  }
0xbb: {  	v5 =	vld.idx.msk [tilespmem:v5+s7+$0x0], $0xffff  }
0xbc: {  	s29 =	simm.s32 $0x1CB80;
	v6 =	vld.idx.msk [tilespmem:v6+s7+$0x0], $0xffff  }
0xbd: {  	v7 =	vld.idx.msk [tilespmem:v7+s7+$0x0], $0xffff;
	[tilespmem:s29+$0x70] =	vst v1  }
0xbe: {  	v8 =	vld.idx.msk [tilespmem:v8+s7+$0x0], $0xffff;
	[tilespmem:s29+$0xFFFFFF90] =	vst v2  }
0xbf: {  	v16 =	vld.idx.msk [tilespmem:v16+s7+$0x0], $0xffff;
	[tilespmem:s29+$0xFFFFFFA0] =	vst v3  }
0xc0: {  	v9 =	vld.idx.msk [tilespmem:v9+s7+$0x0], $0xffff;
	[tilespmem:s29+$0xFFFFFFB0] =	vst v4  }
0xc1: {  	[tilespmem:s29+$0xFFFFFFC0] =	vst v5;
	v1 =	vld.idx.msk [tilespmem:v10+s7+$0x0], $0xffff  }
0xc2: {  	[tilespmem:s29+$0xFFFFFFD0] =	vst v6;
	v2 =	vld.idx.msk [tilespmem:v11+s7+$0x0], $0xffff  }
0xc3: {  	[tilespmem:s29+$0xFFFFFFE0] =	vst v7;
	v3 =	vld.idx.msk [tilespmem:v12+s7+$0x0], $0xffff  }
0xc4: {  	[tilespmem:s29+$0xFFFFFFF0] =	vst v8;
	v4 =	vld.idx.msk [tilespmem:v13+s7+$0x0], $0xffff  }
0xc5: {  	[tilespmem:s29+$0xFFFFFF80] =	vst v16;
	v5 =	vld.idx.msk [tilespmem:v14+s7+$0x0], $0xffff  }
0xc6: {  	s30 =	simm.s32 $0x0;
	s31 =	simm.s32 $0x1AAF0;
	[tilespmem:s29+$0x0] =	vst v9;
	v6 =	vld.idx.msk [tilespmem:v15+s7+$0x0], $0xffff  }
.LBB2_4:
0xc7: {  	v7 =	vld [tilespmem:s31+$0x0];
	s30 =	sadd.s32 $0x100, s30;
	[tilespmem:s29+$0x10] =	vst v1  }
0xc8: {  	v1 =	vld [tilespmem:s31+$0xFFFFFF20];
	p0 =	slt.u32 s30, $0x2100;
	[tilespmem:s29+$0x20] =	vst v2  }
0xc9: {  	v2 =	vld [tilespmem:s31+$0xFFFFFF30];
	[tilespmem:s29+$0x30] =	vst v3  }
0xca: {  	v3 =	vld [tilespmem:s31+$0xFFFFFF40];
	[tilespmem:s29+$0x40] =	vst v4  }
0xcb: {  	v4 =	vld [tilespmem:s31+$0xFFFFFF50];
	[tilespmem:s29+$0x50] =	vst v5  }
0xcc: {  	v5 =	vld [tilespmem:s31+$0xFFFFFF60];
	[tilespmem:s29+$0x60] =	vst v6  }
0xcd: {  	v6 =	vld [tilespmem:s31+$0xFFFFFF70]  }
0xce: {  	v8 =	vld [tilespmem:s31+$0xFFFFFF80]  }
0xcf: {  	v7 =	vld.idx.msk [tilespmem:v7+s7+$0x0], $0xffff  }
0xd0: {  	v9 =	vld [tilespmem:s31+$0xFFFFFF90]  }
0xd1: {  	v10 =	vld [tilespmem:s31+$0xFFFFFFA0]  }
0xd2: {  	v11 =	vld [tilespmem:s31+$0xFFFFFFB0]  }
0xd3: {  	v12 =	vld [tilespmem:s31+$0xFFFFFFC0]  }
0xd4: {  	s29 =	sadd.s32 $0x100, s29;
	v13 =	vld [tilespmem:s31+$0xFFFFFFD0]  }
0xd5: {  	v14 =	vld [tilespmem:s31+$0xFFFFFFE0];
	[tilespmem:s29+$0x70] =	vst v7  }
0xd6: {  	v7 =	vld [tilespmem:s31+$0xFFFFFFF0]  }
0xd7: {  	v15 =	vld [tilespmem:s31+$0xFFFFFF10]  }
0xd8: {  	v1 =	vld.idx.msk [tilespmem:v1+s7+$0x0], $0xffff  }
0xd9: {  	v2 =	vld.idx.msk [tilespmem:v2+s7+$0x0], $0xffff  }
0xda: {  	v3 =	vld.idx.msk [tilespmem:v3+s7+$0x0], $0xffff  }
0xdb: {  	v4 =	vld.idx.msk [tilespmem:v4+s7+$0x0], $0xffff  }
0xdc: {  	v5 =	vld.idx.msk [tilespmem:v5+s7+$0x0], $0xffff  }
0xdd: {  	v6 =	vld.idx.msk [tilespmem:v6+s7+$0x0], $0xffff  }
0xde: {  	[tilespmem:s29+$0xFFFFFF90] =	vst v1;
	v8 =	vld.idx.msk [tilespmem:v8+s7+$0x0], $0xffff  }
0xdf: {  	v15 =	vld.idx.msk [tilespmem:v15+s7+$0x0], $0xffff;
	[tilespmem:s29+$0xFFFFFFA0] =	vst v2  }
0xe0: {  	[tilespmem:s29+$0xFFFFFFB0] =	vst v3;
	v9 =	vld.idx.msk [tilespmem:v9+s7+$0x0], $0xffff  }
0xe1: {  	[tilespmem:s29+$0xFFFFFFC0] =	vst v4;
	v1 =	vld.idx.msk [tilespmem:v10+s7+$0x0], $0xffff  }
.Ltmp1:
0xe2: {  	[tilespmem:s29+$0xFFFFFFD0] =	vst v5;
	v2 =	vld.idx.msk [tilespmem:v11+s7+$0x0], $0xffff;
	(pc) =	sbr.rel @p0 .LBB2_4-.Ltmp1, $4  }
0xe3: {  	[tilespmem:s29+$0xFFFFFFE0] =	vst v6;
	v3 =	vld.idx.msk [tilespmem:v12+s7+$0x0], $0xffff  }
0xe4: {  	[tilespmem:s29+$0xFFFFFFF0] =	vst v8;
	v4 =	vld.idx.msk [tilespmem:v13+s7+$0x0], $0xffff  }
0xe5: {  	[tilespmem:s29+$0xFFFFFF80] =	vst v15;
	v5 =	vld.idx.msk [tilespmem:v14+s7+$0x0], $0xffff  }
0xe6: {  	s31 =	sadd.s32 $0x100, s31;
	[tilespmem:s29+$0x0] =	vst v9;
	v6 =	vld.idx.msk [tilespmem:v7+s7+$0x0], $0xffff  }
0xe7: {  	[tilespmem:s29+$0x10] =	vst v1  }
0xe8: {  	[tilespmem:s29+$0x20] =	vst v2  }
0xe9: {  	[tilespmem:s29+$0x30] =	vst v3  }
0xea: {  	[tilespmem:s29+$0x40] =	vst v4  }
0xeb: {  	[tilespmem:s29+$0x50] =	vst v5  }
0xec: {  	[tilespmem:s29+$0x60] =	vst v6  }
0xed: {  	[hbm4b:s10+s18] =	stream.strided.scatter [tilespmem:s24], [sflag:$0x3], $0x2200, s19, s18, $0x38;
	[tilespmem:$0x1ED00] =	vst v63  }
0xee: {  	_ = 	snop  }
0xef: {  	[tilespmem:s7], [sflag:$0x1] =	stream.strided.gather [hbm4b:s11+s18], $0x18700, s19, s18, $0x38;
	[tilespmem:$0x1ED00] =	vst v63  }
0xf0: {  	_ = 	snop  }
0xf1: {  	[tilespmem:s20], [sflag:$0x2] =	stream.linear.gather [hbm4b:s2+s7], $0x4000, $0x38;
	[tilespmem:$0x1ED00] =	vst v63  }
0xf2: {  	_ = 	snop  }
0xf3: {  	[tilespmem:s21], [sflag:$0x2] =	stream.linear.gather [hbm4b:s5+s7], $0xC8, $0x38;
	[tilespmem:$0x1ED00] =	vst v63  }
0xf4: {  	_ =	swait.ge [sflag:s22], $0x4000  }
0xf5: {  	[sflag:s22] =	ssyncset.done $0x0  }
0xf6: {  	[sflag:s22] =	ssyncadd.s32 $0xFFFFC000  }
0xf7: {  	_ =	swait.ge [sflag:s22], $0xC8  }
0xf8: {  	[sflag:s22] =	ssyncset.done $0x0  }
0xf9: {  	[sflag:s22] =	ssyncadd.s32 $0xFFFFFF38  }
0xfa: {  	[tilespmem:$0x1C7D0] =	vst v0  }
0xfb: {  	[tilespmem:$0x1C7E0] =	vst v0  }
0xfc: {  	[tilespmem:$0x1C7F0] =	vst v0  }
0xfd: {  	[tilespmem:$0x1C800] =	vst v0  }
0xfe: {  	[tilespmem:$0x1C810] =	vst v0  }
0xff: {  	[tilespmem:$0x1C820] =	vst v0  }
0x100: {  	[tilespmem:$0x1C830] =	vst v0  }
0x101: {  	[tilespmem:$0x1C840] =	vst v0  }
0x102: {  	[tilespmem:$0x1C850] =	vst v0  }
0x103: {  	[tilespmem:$0x1C860] =	vst v0  }
0x104: {  	[tilespmem:$0x1C870] =	vst v0  }
0x105: {  	[tilespmem:$0x1C880] =	vst v0  }
0x106: {  	[tilespmem:$0x1C890] =	vst v0  }
0x107: {  	[tilespmem:$0x1C8A0] =	vst v0  }
0x108: {  	[tilespmem:$0x1C8B0] =	vst v0  }
0x109: {  	[tilespmem:$0x1C8C0] =	vst v0  }
0x10a: {  	[tilespmem:$0x1C8D0] =	vst v0  }
0x10b: {  	[tilespmem:$0x1C8E0] =	vst v0  }
0x10c: {  	[tilespmem:$0x1C8F0] =	vst v0  }
0x10d: {  	[tilespmem:$0x1C900] =	vst v0  }
0x10e: {  	[tilespmem:$0x1C910] =	vst v0  }
0x10f: {  	[tilespmem:$0x1C920] =	vst v0  }
0x110: {  	[tilespmem:$0x1C930] =	vst v0  }
0x111: {  	[tilespmem:$0x1C940] =	vst v0  }
0x112: {  	[tilespmem:$0x1C950] =	vst v0  }
0x113: {  	[tilespmem:$0x1C960] =	vst v0  }
0x114: {  	[tilespmem:$0x1C970] =	vst v0  }
0x115: {  	[tilespmem:$0x1C980] =	vst v0  }
0x116: {  	[tilespmem:$0x1C990] =	vst v0  }
0x117: {  	[tilespmem:$0x1C9A0] =	vst v0  }
0x118: {  	[tilespmem:$0x1C9B0] =	vst v0  }
0x119: {  	[tilespmem:$0x1C9C0] =	vst v0  }
0x11a: {  	[tilespmem:$0x1C9D0] =	vst v0  }
0x11b: {  	[tilespmem:$0x1C9E0] =	vst v0  }
0x11c: {  	[tilespmem:$0x1C9F0] =	vst v0  }
0x11d: {  	[tilespmem:$0x1CA00] =	vst v0  }
0x11e: {  	[tilespmem:$0x1CA10] =	vst v0  }
0x11f: {  	[tilespmem:$0x1CA20] =	vst v0  }
0x120: {  	[tilespmem:$0x1CA30] =	vst v0  }
0x121: {  	[tilespmem:$0x1CA40] =	vst v0  }
0x122: {  	[tilespmem:$0x1CA50] =	vst v0  }
0x123: {  	[tilespmem:$0x1CA60] =	vst v0  }
0x124: {  	[tilespmem:$0x1CA70] =	vst v0  }
0x125: {  	[tilespmem:$0x1CA80] =	vst v0  }
0x126: {  	[tilespmem:$0x1CA90] =	vst v0  }
0x127: {  	v1 =	vld [tilespmem:$0x1C7C0];
	[tilespmem:$0x1CAA0] =	vst v0  }
0x128: {  	[tilespmem:$0x1CAB0] =	vst v0  }
0x129: {  	[tilespmem:$0x1CAC0] =	vst v0  }
0x12a: {  	[tilespmem:$0x1CAD0] =	vst v0  }
0x12b: {  	[tilespmem:$0x1CAE0] =	vst v0  }
0x12c: {  	[tilespmem:$0x1CAF0] =	vst v0;
	v1 =	vnsel vm0, $0x0, v1  }
0x12d: {  	[tilespmem:$0x1C7C0] =	vst v1  }
0x12e: {  	_ =	swait.ge [sflag:s23], $0x18700  }
0x12f: {  	[sflag:s23] =	ssyncset.done $0x0  }
0x130: {  	[sflag:s23] =	ssyncadd.s32 $0xFFFE7900  }
0x131: {  	_ =	swait.ge [sflag:s26], $0x2200  }
0x132: {  	[sflag:s26] =	ssyncset.done $0x0  }
0x133: {  	s29 =	simm.s32 $0x18780;
	[sflag:s26] =	ssyncadd.s32 $0xFFFFDE00  }
0x134: {  	v1 =	vld [tilespmem:s29+$0x70]  }
0x135: {  	v2 =	vld [tilespmem:s29+$0xFFFFFF90]  }
0x136: {  	v3 =	vld [tilespmem:s29+$0xFFFFFFA0]  }
0x137: {  	v4 =	vld [tilespmem:s29+$0xFFFFFFB0]  }
0x138: {  	v5 =	vld [tilespmem:s29+$0xFFFFFFC0]  }
0x139: {  	v6 =	vld [tilespmem:s29+$0xFFFFFFD0]  }
0x13a: {  	v7 =	vld [tilespmem:s29+$0xFFFFFFE0]  }
0x13b: {  	v8 =	vld [tilespmem:s29+$0xFFFFFFF0]  }
0x13c: {  	v9 =	vld [tilespmem:s29+$0x0]  }
0x13d: {  	v10 =	vld [tilespmem:s29+$0x10]  }
0x13e: {  	v11 =	vld [tilespmem:s29+$0x20]  }
0x13f: {  	v12 =	vld [tilespmem:s29+$0x30]  }
0x140: {  	v13 =	vld [tilespmem:s29+$0x40]  }
0x141: {  	v14 =	vld [tilespmem:s29+$0x50]  }
0x142: {  	v15 =	vld [tilespmem:s29+$0x60]  }
0x143: {  	v16 =	vld [tilespmem:s29+$0xFFFFFF80]  }
0x144: {  	v1 =	vld.idx.msk [tilespmem:v1+s7+$0x0], $0xffff  }
0x145: {  	v2 =	vld.idx.msk [tilespmem:v2+s7+$0x0], $0xffff  }
0x146: {  	v3 =	vld.idx.msk [tilespmem:v3+s7+$0x0], $0xffff  }
0x147: {  	v4 =	vld.idx.msk [tilespmem:v4+s7+$0x0], $0xffff  }
0x148: {  	v5 =	vld.idx.msk [tilespmem:v5+s7+$0x0], $0xffff  }
0x149: {  	s29 =	simm.s32 $0x1CB80;
	v6 =	vld.idx.msk [tilespmem:v6+s7+$0x0], $0xffff  }
0x14a: {  	v7 =	vld.idx.msk [tilespmem:v7+s7+$0x0], $0xffff;
	[tilespmem:s29+$0x70] =	vst v1  }
0x14b: {  	v8 =	vld.idx.msk [tilespmem:v8+s7+$0x0], $0xffff;
	[tilespmem:s29+$0xFFFFFF90] =	vst v2  }
0x14c: {  	v16 =	vld.idx.msk [tilespmem:v16+s7+$0x0], $0xffff;
	[tilespmem:s29+$0xFFFFFFA0] =	vst v3  }
0x14d: {  	v9 =	vld.idx.msk [tilespmem:v9+s7+$0x0], $0xffff;
	[tilespmem:s29+$0xFFFFFFB0] =	vst v4  }
0x14e: {  	[tilespmem:s29+$0xFFFFFFC0] =	vst v5;
	v1 =	vld.idx.msk [tilespmem:v10+s7+$0x0], $0xffff  }
0x14f: {  	[tilespmem:s29+$0xFFFFFFD0] =	vst v6;
	v2 =	vld.idx.msk [tilespmem:v11+s7+$0x0], $0xffff  }
0x150: {  	[tilespmem:s29+$0xFFFFFFE0] =	vst v7;
	v3 =	vld.idx.msk [tilespmem:v12+s7+$0x0], $0xffff  }
0x151: {  	[tilespmem:s29+$0xFFFFFFF0] =	vst v8;
	v4 =	vld.idx.msk [tilespmem:v13+s7+$0x0], $0xffff  }
0x152: {  	[tilespmem:s29+$0xFFFFFF80] =	vst v16;
	v5 =	vld.idx.msk [tilespmem:v14+s7+$0x0], $0xffff  }
0x153: {  	s30 =	simm.s32 $0x0;
	s31 =	simm.s32 $0x18880;
	[tilespmem:s29+$0x0] =	vst v9;
	v6 =	vld.idx.msk [tilespmem:v15+s7+$0x0], $0xffff  }
.LBB2_6:
0x154: {  	v7 =	vld [tilespmem:s31+$0x70];
	s30 =	sadd.s32 $0x100, s30;
	[tilespmem:s29+$0x10] =	vst v1  }
0x155: {  	v1 =	vld [tilespmem:s31+$0xFFFFFF90];
	p0 =	slt.u32 s30, $0x2100;
	[tilespmem:s29+$0x20] =	vst v2  }
0x156: {  	v2 =	vld [tilespmem:s31+$0xFFFFFFA0];
	[tilespmem:s29+$0x30] =	vst v3  }
0x157: {  	v3 =	vld [tilespmem:s31+$0xFFFFFFB0];
	[tilespmem:s29+$0x40] =	vst v4  }
0x158: {  	v4 =	vld [tilespmem:s31+$0xFFFFFFC0];
	[tilespmem:s29+$0x50] =	vst v5  }
0x159: {  	v5 =	vld [tilespmem:s31+$0xFFFFFFD0];
	[tilespmem:s29+$0x60] =	vst v6  }
0x15a: {  	v6 =	vld [tilespmem:s31+$0xFFFFFFE0]  }
0x15b: {  	v8 =	vld [tilespmem:s31+$0xFFFFFFF0]  }
0x15c: {  	v7 =	vld.idx.msk [tilespmem:v7+s7+$0x0], $0xffff  }
0x15d: {  	v9 =	vld [tilespmem:s31+$0x0]  }
0x15e: {  	v10 =	vld [tilespmem:s31+$0x10]  }
0x15f: {  	v11 =	vld [tilespmem:s31+$0x20]  }
0x160: {  	v12 =	vld [tilespmem:s31+$0x30]  }
0x161: {  	s29 =	sadd.s32 $0x100, s29;
	v13 =	vld [tilespmem:s31+$0x40]  }
0x162: {  	v14 =	vld [tilespmem:s31+$0x50];
	[tilespmem:s29+$0x70] =	vst v7  }
0x163: {  	v7 =	vld [tilespmem:s31+$0x60]  }
0x164: {  	v15 =	vld [tilespmem:s31+$0xFFFFFF80]  }
0x165: {  	v1 =	vld.idx.msk [tilespmem:v1+s7+$0x0], $0xffff  }
0x166: {  	v2 =	vld.idx.msk [tilespmem:v2+s7+$0x0], $0xffff  }
0x167: {  	v3 =	vld.idx.msk [tilespmem:v3+s7+$0x0], $0xffff  }
0x168: {  	v4 =	vld.idx.msk [tilespmem:v4+s7+$0x0], $0xffff  }
0x169: {  	v5 =	vld.idx.msk [tilespmem:v5+s7+$0x0], $0xffff  }
0x16a: {  	v6 =	vld.idx.msk [tilespmem:v6+s7+$0x0], $0xffff  }
0x16b: {  	[tilespmem:s29+$0xFFFFFF90] =	vst v1;
	v8 =	vld.idx.msk [tilespmem:v8+s7+$0x0], $0xffff  }
0x16c: {  	v15 =	vld.idx.msk [tilespmem:v15+s7+$0x0], $0xffff;
	[tilespmem:s29+$0xFFFFFFA0] =	vst v2  }
0x16d: {  	[tilespmem:s29+$0xFFFFFFB0] =	vst v3;
	v9 =	vld.idx.msk [tilespmem:v9+s7+$0x0], $0xffff  }
0x16e: {  	[tilespmem:s29+$0xFFFFFFC0] =	vst v4;
	v1 =	vld.idx.msk [tilespmem:v10+s7+$0x0], $0xffff  }
.Ltmp2:
0x16f: {  	[tilespmem:s29+$0xFFFFFFD0] =	vst v5;
	v2 =	vld.idx.msk [tilespmem:v11+s7+$0x0], $0xffff;
	(pc) =	sbr.rel @p0 .LBB2_6-.Ltmp2, $4  }
0x170: {  	[tilespmem:s29+$0xFFFFFFE0] =	vst v6;
	v3 =	vld.idx.msk [tilespmem:v12+s7+$0x0], $0xffff  }
0x171: {  	[tilespmem:s29+$0xFFFFFFF0] =	vst v8;
	v4 =	vld.idx.msk [tilespmem:v13+s7+$0x0], $0xffff  }
0x172: {  	[tilespmem:s29+$0xFFFFFF80] =	vst v15;
	v5 =	vld.idx.msk [tilespmem:v14+s7+$0x0], $0xffff  }
0x173: {  	s31 =	sadd.s32 $0x100, s31;
	[tilespmem:s29+$0x0] =	vst v9;
	v6 =	vld.idx.msk [tilespmem:v7+s7+$0x0], $0xffff  }
0x174: {  	[tilespmem:s29+$0x10] =	vst v1  }
0x175: {  	[tilespmem:s29+$0x20] =	vst v2  }
0x176: {  	[tilespmem:s29+$0x30] =	vst v3  }
0x177: {  	[tilespmem:s29+$0x40] =	vst v4  }
0x178: {  	[tilespmem:s29+$0x50] =	vst v5  }
0x179: {  	[tilespmem:s29+$0x60] =	vst v6  }
0x17a: {  	[hbm4b:s12+s18] =	stream.strided.scatter [tilespmem:s24], [sflag:$0x4], $0x2200, s19, s18, $0x38;
	[tilespmem:$0x1ED00] =	vst v63  }
0x17b: {  	_ =	swait.ge [sflag:s25], $0x2200  }
0x17c: {  	[sflag:s25] =	ssyncset.done $0x0  }
0x17d: {  	s29 =	simm.s32 $0x1A9F0;
	[sflag:s25] =	ssyncadd.s32 $0xFFFFDE00  }
0x17e: {  	v1 =	vld [tilespmem:s29+$0x0]  }
0x17f: {  	v2 =	vld [tilespmem:s29+$0xFFFFFF20]  }
0x180: {  	v3 =	vld [tilespmem:s29+$0xFFFFFF30]  }
0x181: {  	v4 =	vld [tilespmem:s29+$0xFFFFFF40]  }
0x182: {  	v5 =	vld [tilespmem:s29+$0xFFFFFF50]  }
0x183: {  	v6 =	vld [tilespmem:s29+$0xFFFFFF60]  }
0x184: {  	v7 =	vld [tilespmem:s29+$0xFFFFFF70]  }
0x185: {  	v8 =	vld [tilespmem:s29+$0xFFFFFF80]  }
0x186: {  	v9 =	vld [tilespmem:s29+$0xFFFFFF90]  }
0x187: {  	v10 =	vld [tilespmem:s29+$0xFFFFFFA0]  }
0x188: {  	v11 =	vld [tilespmem:s29+$0xFFFFFFB0]  }
0x189: {  	v12 =	vld [tilespmem:s29+$0xFFFFFFC0]  }
0x18a: {  	v13 =	vld [tilespmem:s29+$0xFFFFFFD0]  }
0x18b: {  	v14 =	vld [tilespmem:s29+$0xFFFFFFE0]  }
0x18c: {  	v15 =	vld [tilespmem:s29+$0xFFFFFFF0]  }
0x18d: {  	v16 =	vld [tilespmem:s29+$0xFFFFFF10]  }
0x18e: {  	v1 =	vld.idx.msk [tilespmem:v1+s7+$0x0], $0xffff  }
0x18f: {  	v2 =	vld.idx.msk [tilespmem:v2+s7+$0x0], $0xffff  }
0x190: {  	v3 =	vld.idx.msk [tilespmem:v3+s7+$0x0], $0xffff  }
0x191: {  	v4 =	vld.idx.msk [tilespmem:v4+s7+$0x0], $0xffff  }
0x192: {  	v5 =	vld.idx.msk [tilespmem:v5+s7+$0x0], $0xffff  }
0x193: {  	s29 =	simm.s32 $0x1CB80;
	v6 =	vld.idx.msk [tilespmem:v6+s7+$0x0], $0xffff  }
0x194: {  	v7 =	vld.idx.msk [tilespmem:v7+s7+$0x0], $0xffff;
	[tilespmem:s29+$0x70] =	vst v1  }
0x195: {  	v8 =	vld.idx.msk [tilespmem:v8+s7+$0x0], $0xffff;
	[tilespmem:s29+$0xFFFFFF90] =	vst v2  }
0x196: {  	v16 =	vld.idx.msk [tilespmem:v16+s7+$0x0], $0xffff;
	[tilespmem:s29+$0xFFFFFFA0] =	vst v3  }
0x197: {  	v9 =	vld.idx.msk [tilespmem:v9+s7+$0x0], $0xffff;
	[tilespmem:s29+$0xFFFFFFB0] =	vst v4  }
0x198: {  	[tilespmem:s29+$0xFFFFFFC0] =	vst v5;
	v1 =	vld.idx.msk [tilespmem:v10+s7+$0x0], $0xffff  }
0x199: {  	[tilespmem:s29+$0xFFFFFFD0] =	vst v6;
	v2 =	vld.idx.msk [tilespmem:v11+s7+$0x0], $0xffff  }
0x19a: {  	[tilespmem:s29+$0xFFFFFFE0] =	vst v7;
	v3 =	vld.idx.msk [tilespmem:v12+s7+$0x0], $0xffff  }
0x19b: {  	[tilespmem:s29+$0xFFFFFFF0] =	vst v8;
	v4 =	vld.idx.msk [tilespmem:v13+s7+$0x0], $0xffff  }
0x19c: {  	[tilespmem:s29+$0xFFFFFF80] =	vst v16;
	v5 =	vld.idx.msk [tilespmem:v14+s7+$0x0], $0xffff  }
0x19d: {  	s30 =	simm.s32 $0x0;
	s31 =	simm.s32 $0x1AAF0;
	[tilespmem:s29+$0x0] =	vst v9;
	v6 =	vld.idx.msk [tilespmem:v15+s7+$0x0], $0xffff  }
.LBB2_8:
0x19e: {  	v7 =	vld [tilespmem:s31+$0x0];
	s30 =	sadd.s32 $0x100, s30;
	[tilespmem:s29+$0x10] =	vst v1  }
0x19f: {  	v1 =	vld [tilespmem:s31+$0xFFFFFF20];
	p0 =	slt.u32 s30, $0x2100;
	[tilespmem:s29+$0x20] =	vst v2  }
0x1a0: {  	v2 =	vld [tilespmem:s31+$0xFFFFFF30];
	[tilespmem:s29+$0x30] =	vst v3  }
0x1a1: {  	v3 =	vld [tilespmem:s31+$0xFFFFFF40];
	[tilespmem:s29+$0x40] =	vst v4  }
0x1a2: {  	v4 =	vld [tilespmem:s31+$0xFFFFFF50];
	[tilespmem:s29+$0x50] =	vst v5  }
0x1a3: {  	v5 =	vld [tilespmem:s31+$0xFFFFFF60];
	[tilespmem:s29+$0x60] =	vst v6  }
0x1a4: {  	v6 =	vld [tilespmem:s31+$0xFFFFFF70]  }
0x1a5: {  	v8 =	vld [tilespmem:s31+$0xFFFFFF80]  }
0x1a6: {  	v7 =	vld.idx.msk [tilespmem:v7+s7+$0x0], $0xffff  }
0x1a7: {  	v9 =	vld [tilespmem:s31+$0xFFFFFF90]  }
0x1a8: {  	v10 =	vld [tilespmem:s31+$0xFFFFFFA0]  }
0x1a9: {  	v11 =	vld [tilespmem:s31+$0xFFFFFFB0]  }
0x1aa: {  	v12 =	vld [tilespmem:s31+$0xFFFFFFC0]  }
0x1ab: {  	s29 =	sadd.s32 $0x100, s29;
	v13 =	vld [tilespmem:s31+$0xFFFFFFD0]  }
0x1ac: {  	v14 =	vld [tilespmem:s31+$0xFFFFFFE0];
	[tilespmem:s29+$0x70] =	vst v7  }
0x1ad: {  	v7 =	vld [tilespmem:s31+$0xFFFFFFF0]  }
0x1ae: {  	v15 =	vld [tilespmem:s31+$0xFFFFFF10]  }
0x1af: {  	v1 =	vld.idx.msk [tilespmem:v1+s7+$0x0], $0xffff  }
0x1b0: {  	v2 =	vld.idx.msk [tilespmem:v2+s7+$0x0], $0xffff  }
0x1b1: {  	v3 =	vld.idx.msk [tilespmem:v3+s7+$0x0], $0xffff  }
0x1b2: {  	v4 =	vld.idx.msk [tilespmem:v4+s7+$0x0], $0xffff  }
0x1b3: {  	v5 =	vld.idx.msk [tilespmem:v5+s7+$0x0], $0xffff  }
0x1b4: {  	v6 =	vld.idx.msk [tilespmem:v6+s7+$0x0], $0xffff  }
0x1b5: {  	[tilespmem:s29+$0xFFFFFF90] =	vst v1;
	v8 =	vld.idx.msk [tilespmem:v8+s7+$0x0], $0xffff  }
0x1b6: {  	v15 =	vld.idx.msk [tilespmem:v15+s7+$0x0], $0xffff;
	[tilespmem:s29+$0xFFFFFFA0] =	vst v2  }
0x1b7: {  	[tilespmem:s29+$0xFFFFFFB0] =	vst v3;
	v9 =	vld.idx.msk [tilespmem:v9+s7+$0x0], $0xffff  }
0x1b8: {  	[tilespmem:s29+$0xFFFFFFC0] =	vst v4;
	v1 =	vld.idx.msk [tilespmem:v10+s7+$0x0], $0xffff  }
.Ltmp3:
0x1b9: {  	[tilespmem:s29+$0xFFFFFFD0] =	vst v5;
	v2 =	vld.idx.msk [tilespmem:v11+s7+$0x0], $0xffff;
	(pc) =	sbr.rel @p0 .LBB2_8-.Ltmp3, $4  }
0x1ba: {  	[tilespmem:s29+$0xFFFFFFE0] =	vst v6;
	v3 =	vld.idx.msk [tilespmem:v12+s7+$0x0], $0xffff  }
0x1bb: {  	[tilespmem:s29+$0xFFFFFFF0] =	vst v8;
	v4 =	vld.idx.msk [tilespmem:v13+s7+$0x0], $0xffff  }
0x1bc: {  	[tilespmem:s29+$0xFFFFFF80] =	vst v15;
	v5 =	vld.idx.msk [tilespmem:v14+s7+$0x0], $0xffff  }
0x1bd: {  	s31 =	sadd.s32 $0x100, s31;
	[tilespmem:s29+$0x0] =	vst v9;
	v6 =	vld.idx.msk [tilespmem:v7+s7+$0x0], $0xffff  }
0x1be: {  	[tilespmem:s29+$0x10] =	vst v1  }
0x1bf: {  	[tilespmem:s29+$0x20] =	vst v2  }
0x1c0: {  	[tilespmem:s29+$0x30] =	vst v3  }
0x1c1: {  	[tilespmem:s29+$0x40] =	vst v4  }
0x1c2: {  	[tilespmem:s29+$0x50] =	vst v5  }
0x1c3: {  	[tilespmem:s29+$0x60] =	vst v6  }
0x1c4: {  	[hbm4b:s13+s18] =	stream.strided.scatter [tilespmem:s24], [sflag:$0x3], $0x2200, s19, s18, $0x38;
	[tilespmem:$0x1ED00] =	vst v63  }
0x1c5: {  	_ = 	snop  }
0x1c6: {  	[tilespmem:s7], [sflag:$0x1] =	stream.strided.gather [hbm4b:s14+s18], $0x18700, s19, s18, $0x38;
	[tilespmem:$0x1ED00] =	vst v63  }
0x1c7: {  	_ = 	snop  }
0x1c8: {  	[tilespmem:s20], [sflag:$0x2] =	stream.linear.gather [hbm4b:s3+s7], $0x4000, $0x38;
	[tilespmem:$0x1ED00] =	vst v63  }
0x1c9: {  	_ =	swait.ge [sflag:s22], $0x4000  }
0x1ca: {  	[sflag:s22] =	ssyncset.done $0x0  }
0x1cb: {  	[sflag:s22] =	ssyncadd.s32 $0xFFFFC000  }
0x1cc: {  	_ =	swait.ge [sflag:s23], $0x18700  }
0x1cd: {  	[sflag:s23] =	ssyncset.done $0x0  }
0x1ce: {  	[sflag:s23] =	ssyncadd.s32 $0xFFFE7900  }
0x1cf: {  	_ =	swait.ge [sflag:s26], $0x2200  }
0x1d0: {  	[sflag:s26] =	ssyncset.done $0x0  }
0x1d1: {  	s29 =	simm.s32 $0x18780;
	[sflag:s26] =	ssyncadd.s32 $0xFFFFDE00  }
0x1d2: {  	v1 =	vld [tilespmem:s29+$0x70]  }
0x1d3: {  	v2 =	vld [tilespmem:s29+$0xFFFFFF90]  }
0x1d4: {  	v3 =	vld [tilespmem:s29+$0xFFFFFFA0]  }
0x1d5: {  	v4 =	vld [tilespmem:s29+$0xFFFFFFB0]  }
0x1d6: {  	v5 =	vld [tilespmem:s29+$0xFFFFFFC0]  }
0x1d7: {  	v6 =	vld [tilespmem:s29+$0xFFFFFFD0]  }
0x1d8: {  	v7 =	vld [tilespmem:s29+$0xFFFFFFE0]  }
0x1d9: {  	v8 =	vld [tilespmem:s29+$0xFFFFFFF0]  }
0x1da: {  	v9 =	vld [tilespmem:s29+$0x0]  }
0x1db: {  	v10 =	vld [tilespmem:s29+$0x10]  }
0x1dc: {  	v11 =	vld [tilespmem:s29+$0x20]  }
0x1dd: {  	v12 =	vld [tilespmem:s29+$0x30]  }
0x1de: {  	v13 =	vld [tilespmem:s29+$0x40]  }
0x1df: {  	v14 =	vld [tilespmem:s29+$0x50]  }
0x1e0: {  	v15 =	vld [tilespmem:s29+$0x60]  }
0x1e1: {  	v16 =	vld [tilespmem:s29+$0xFFFFFF80]  }
0x1e2: {  	v1 =	vld.idx.msk [tilespmem:v1+s7+$0x0], $0xffff  }
0x1e3: {  	v2 =	vld.idx.msk [tilespmem:v2+s7+$0x0], $0xffff  }
0x1e4: {  	v3 =	vld.idx.msk [tilespmem:v3+s7+$0x0], $0xffff  }
0x1e5: {  	v4 =	vld.idx.msk [tilespmem:v4+s7+$0x0], $0xffff  }
0x1e6: {  	v5 =	vld.idx.msk [tilespmem:v5+s7+$0x0], $0xffff  }
0x1e7: {  	s29 =	simm.s32 $0x1CB80;
	v6 =	vld.idx.msk [tilespmem:v6+s7+$0x0], $0xffff  }
0x1e8: {  	v7 =	vld.idx.msk [tilespmem:v7+s7+$0x0], $0xffff;
	[tilespmem:s29+$0x70] =	vst v1  }
0x1e9: {  	v8 =	vld.idx.msk [tilespmem:v8+s7+$0x0], $0xffff;
	[tilespmem:s29+$0xFFFFFF90] =	vst v2  }
0x1ea: {  	v16 =	vld.idx.msk [tilespmem:v16+s7+$0x0], $0xffff;
	[tilespmem:s29+$0xFFFFFFA0] =	vst v3  }
0x1eb: {  	v9 =	vld.idx.msk [tilespmem:v9+s7+$0x0], $0xffff;
	[tilespmem:s29+$0xFFFFFFB0] =	vst v4  }
0x1ec: {  	[tilespmem:s29+$0xFFFFFFC0] =	vst v5;
	v1 =	vld.idx.msk [tilespmem:v10+s7+$0x0], $0xffff  }
0x1ed: {  	[tilespmem:s29+$0xFFFFFFD0] =	vst v6;
	v2 =	vld.idx.msk [tilespmem:v11+s7+$0x0], $0xffff  }
0x1ee: {  	[tilespmem:s29+$0xFFFFFFE0] =	vst v7;
	v3 =	vld.idx.msk [tilespmem:v12+s7+$0x0], $0xffff  }
0x1ef: {  	[tilespmem:s29+$0xFFFFFFF0] =	vst v8;
	v4 =	vld.idx.msk [tilespmem:v13+s7+$0x0], $0xffff  }
0x1f0: {  	[tilespmem:s29+$0xFFFFFF80] =	vst v16;
	v5 =	vld.idx.msk [tilespmem:v14+s7+$0x0], $0xffff  }
0x1f1: {  	s30 =	simm.s32 $0x0;
	s31 =	simm.s32 $0x18880;
	[tilespmem:s29+$0x0] =	vst v9;
	v6 =	vld.idx.msk [tilespmem:v15+s7+$0x0], $0xffff  }
.LBB2_10:
0x1f2: {  	v7 =	vld [tilespmem:s31+$0x70];
	s30 =	sadd.s32 $0x100, s30;
	[tilespmem:s29+$0x10] =	vst v1  }
0x1f3: {  	v1 =	vld [tilespmem:s31+$0xFFFFFF90];
	p0 =	slt.u32 s30, $0x1F00;
	[tilespmem:s29+$0x20] =	vst v2  }
0x1f4: {  	v2 =	vld [tilespmem:s31+$0xFFFFFFA0];
	[tilespmem:s29+$0x30] =	vst v3  }
0x1f5: {  	v3 =	vld [tilespmem:s31+$0xFFFFFFB0];
	[tilespmem:s29+$0x40] =	vst v4  }
0x1f6: {  	v4 =	vld [tilespmem:s31+$0xFFFFFFC0];
	[tilespmem:s29+$0x50] =	vst v5  }
0x1f7: {  	v5 =	vld [tilespmem:s31+$0xFFFFFFD0];
	[tilespmem:s29+$0x60] =	vst v6  }
0x1f8: {  	v6 =	vld [tilespmem:s31+$0xFFFFFFE0]  }
0x1f9: {  	v8 =	vld [tilespmem:s31+$0xFFFFFFF0]  }
0x1fa: {  	v7 =	vld.idx.msk [tilespmem:v7+s7+$0x0], $0xffff  }
0x1fb: {  	v9 =	vld [tilespmem:s31+$0x0]  }
0x1fc: {  	v10 =	vld [tilespmem:s31+$0x10]  }
0x1fd: {  	v11 =	vld [tilespmem:s31+$0x20]  }
0x1fe: {  	v12 =	vld [tilespmem:s31+$0x30]  }
0x1ff: {  	s29 =	sadd.s32 $0x100, s29;
	v13 =	vld [tilespmem:s31+$0x40]  }
0x200: {  	v14 =	vld [tilespmem:s31+$0x50];
	[tilespmem:s29+$0x70] =	vst v7  }
0x201: {  	v7 =	vld [tilespmem:s31+$0x60]  }
0x202: {  	v15 =	vld [tilespmem:s31+$0xFFFFFF80]  }
0x203: {  	v1 =	vld.idx.msk [tilespmem:v1+s7+$0x0], $0xffff  }
0x204: {  	v2 =	vld.idx.msk [tilespmem:v2+s7+$0x0], $0xffff  }
0x205: {  	v3 =	vld.idx.msk [tilespmem:v3+s7+$0x0], $0xffff  }
0x206: {  	v4 =	vld.idx.msk [tilespmem:v4+s7+$0x0], $0xffff  }
0x207: {  	v5 =	vld.idx.msk [tilespmem:v5+s7+$0x0], $0xffff  }
0x208: {  	v6 =	vld.idx.msk [tilespmem:v6+s7+$0x0], $0xffff  }
0x209: {  	[tilespmem:s29+$0xFFFFFF90] =	vst v1;
	v8 =	vld.idx.msk [tilespmem:v8+s7+$0x0], $0xffff  }
0x20a: {  	v15 =	vld.idx.msk [tilespmem:v15+s7+$0x0], $0xffff;
	[tilespmem:s29+$0xFFFFFFA0] =	vst v2  }
0x20b: {  	[tilespmem:s29+$0xFFFFFFB0] =	vst v3;
	v9 =	vld.idx.msk [tilespmem:v9+s7+$0x0], $0xffff  }
0x20c: {  	[tilespmem:s29+$0xFFFFFFC0] =	vst v4;
	v1 =	vld.idx.msk [tilespmem:v10+s7+$0x0], $0xffff  }
.Ltmp4:
0x20d: {  	[tilespmem:s29+$0xFFFFFFD0] =	vst v5;
	v2 =	vld.idx.msk [tilespmem:v11+s7+$0x0], $0xffff;
	(pc) =	sbr.rel @p0 .LBB2_10-.Ltmp4, $4  }
0x20e: {  	[tilespmem:s29+$0xFFFFFFE0] =	vst v6;
	v3 =	vld.idx.msk [tilespmem:v12+s7+$0x0], $0xffff  }
0x20f: {  	[tilespmem:s29+$0xFFFFFFF0] =	vst v8;
	v4 =	vld.idx.msk [tilespmem:v13+s7+$0x0], $0xffff  }
0x210: {  	[tilespmem:s29+$0xFFFFFF80] =	vst v15;
	v5 =	vld.idx.msk [tilespmem:v14+s7+$0x0], $0xffff  }
0x211: {  	s31 =	sadd.s32 $0x100, s31;
	[tilespmem:s29+$0x0] =	vst v9;
	v6 =	vld.idx.msk [tilespmem:v7+s7+$0x0], $0xffff  }
0x212: {  	[tilespmem:s29+$0x10] =	vst v1  }
0x213: {  	[tilespmem:s29+$0x20] =	vst v2  }
0x214: {  	[tilespmem:s29+$0x30] =	vst v3  }
0x215: {  	[tilespmem:s29+$0x40] =	vst v4  }
0x216: {  	[tilespmem:s29+$0x50] =	vst v5  }
0x217: {  	[tilespmem:s29+$0x60] =	vst v6  }
0x218: {  	[hbm4b:s15+s18] =	stream.strided.scatter [tilespmem:s24], [sflag:$0x4], $0x2000, s19, s18, $0x38;
	[tilespmem:$0x1ED00] =	vst v63  }
0x219: {  	_ =	swait.ge [sflag:s25], $0x2000  }
0x21a: {  	[sflag:s25] =	ssyncset.done $0x0  }
0x21b: {  	s29 =	simm.s32 $0x1A7F0;
	[sflag:s25] =	ssyncadd.s32 $0xFFFFE000  }
0x21c: {  	v1 =	vld [tilespmem:s29+$0x0]  }
0x21d: {  	v2 =	vld [tilespmem:s29+$0xFFFFFF20]  }
0x21e: {  	v3 =	vld [tilespmem:s29+$0xFFFFFF30]  }
0x21f: {  	v4 =	vld [tilespmem:s29+$0xFFFFFF40]  }
0x220: {  	v5 =	vld [tilespmem:s29+$0xFFFFFF50]  }
0x221: {  	v6 =	vld [tilespmem:s29+$0xFFFFFF60]  }
0x222: {  	v7 =	vld [tilespmem:s29+$0xFFFFFF70]  }
0x223: {  	v8 =	vld [tilespmem:s29+$0xFFFFFF80]  }
0x224: {  	v9 =	vld [tilespmem:s29+$0xFFFFFF90]  }
0x225: {  	v10 =	vld [tilespmem:s29+$0xFFFFFFA0]  }
0x226: {  	v11 =	vld [tilespmem:s29+$0xFFFFFFB0]  }
0x227: {  	v12 =	vld [tilespmem:s29+$0xFFFFFFC0]  }
0x228: {  	v13 =	vld [tilespmem:s29+$0xFFFFFFD0]  }
0x229: {  	v14 =	vld [tilespmem:s29+$0xFFFFFFE0]  }
0x22a: {  	v15 =	vld [tilespmem:s29+$0xFFFFFFF0]  }
0x22b: {  	v16 =	vld [tilespmem:s29+$0xFFFFFF10]  }
0x22c: {  	v1 =	vld.idx.msk [tilespmem:v1+s7+$0x0], $0xffff  }
0x22d: {  	v2 =	vld.idx.msk [tilespmem:v2+s7+$0x0], $0xffff  }
0x22e: {  	v3 =	vld.idx.msk [tilespmem:v3+s7+$0x0], $0xffff  }
0x22f: {  	v4 =	vld.idx.msk [tilespmem:v4+s7+$0x0], $0xffff  }
0x230: {  	v5 =	vld.idx.msk [tilespmem:v5+s7+$0x0], $0xffff  }
0x231: {  	s29 =	simm.s32 $0x1CB80;
	v6 =	vld.idx.msk [tilespmem:v6+s7+$0x0], $0xffff  }
0x232: {  	v7 =	vld.idx.msk [tilespmem:v7+s7+$0x0], $0xffff;
	[tilespmem:s29+$0x70] =	vst v1  }
0x233: {  	v8 =	vld.idx.msk [tilespmem:v8+s7+$0x0], $0xffff;
	[tilespmem:s29+$0xFFFFFF90] =	vst v2  }
0x234: {  	v16 =	vld.idx.msk [tilespmem:v16+s7+$0x0], $0xffff;
	[tilespmem:s29+$0xFFFFFFA0] =	vst v3  }
0x235: {  	v9 =	vld.idx.msk [tilespmem:v9+s7+$0x0], $0xffff;
	[tilespmem:s29+$0xFFFFFFB0] =	vst v4  }
0x236: {  	[tilespmem:s29+$0xFFFFFFC0] =	vst v5;
	v1 =	vld.idx.msk [tilespmem:v10+s7+$0x0], $0xffff  }
0x237: {  	[tilespmem:s29+$0xFFFFFFD0] =	vst v6;
	v2 =	vld.idx.msk [tilespmem:v11+s7+$0x0], $0xffff  }
0x238: {  	[tilespmem:s29+$0xFFFFFFE0] =	vst v7;
	v3 =	vld.idx.msk [tilespmem:v12+s7+$0x0], $0xffff  }
0x239: {  	[tilespmem:s29+$0xFFFFFFF0] =	vst v8;
	v4 =	vld.idx.msk [tilespmem:v13+s7+$0x0], $0xffff  }
0x23a: {  	[tilespmem:s29+$0xFFFFFF80] =	vst v16;
	v5 =	vld.idx.msk [tilespmem:v14+s7+$0x0], $0xffff  }
0x23b: {  	s30 =	simm.s32 $0x0;
	s31 =	simm.s32 $0x1A8F0;
	[tilespmem:s29+$0x0] =	vst v9;
	v6 =	vld.idx.msk [tilespmem:v15+s7+$0x0], $0xffff  }
.LBB2_12:
0x23c: {  	v7 =	vld [tilespmem:s31+$0x0];
	s30 =	sadd.s32 $0x100, s30;
	[tilespmem:s29+$0x10] =	vst v1  }
0x23d: {  	v1 =	vld [tilespmem:s31+$0xFFFFFF20];
	p0 =	slt.u32 s30, $0x1F00;
	[tilespmem:s29+$0x20] =	vst v2  }
0x23e: {  	v2 =	vld [tilespmem:s31+$0xFFFFFF30];
	[tilespmem:s29+$0x30] =	vst v3  }
0x23f: {  	v3 =	vld [tilespmem:s31+$0xFFFFFF40];
	[tilespmem:s29+$0x40] =	vst v4  }
0x240: {  	v4 =	vld [tilespmem:s31+$0xFFFFFF50];
	[tilespmem:s29+$0x50] =	vst v5  }
0x241: {  	v5 =	vld [tilespmem:s31+$0xFFFFFF60];
	[tilespmem:s29+$0x60] =	vst v6  }
0x242: {  	v6 =	vld [tilespmem:s31+$0xFFFFFF70]  }
0x243: {  	v8 =	vld [tilespmem:s31+$0xFFFFFF80]  }
0x244: {  	v7 =	vld.idx.msk [tilespmem:v7+s7+$0x0], $0xffff  }
0x245: {  	v9 =	vld [tilespmem:s31+$0xFFFFFF90]  }
0x246: {  	v10 =	vld [tilespmem:s31+$0xFFFFFFA0]  }
0x247: {  	v11 =	vld [tilespmem:s31+$0xFFFFFFB0]  }
0x248: {  	v12 =	vld [tilespmem:s31+$0xFFFFFFC0]  }
0x249: {  	s29 =	sadd.s32 $0x100, s29;
	v13 =	vld [tilespmem:s31+$0xFFFFFFD0]  }
0x24a: {  	v14 =	vld [tilespmem:s31+$0xFFFFFFE0];
	[tilespmem:s29+$0x70] =	vst v7  }
0x24b: {  	v7 =	vld [tilespmem:s31+$0xFFFFFFF0]  }
0x24c: {  	v15 =	vld [tilespmem:s31+$0xFFFFFF10]  }
0x24d: {  	v1 =	vld.idx.msk [tilespmem:v1+s7+$0x0], $0xffff  }
0x24e: {  	v2 =	vld.idx.msk [tilespmem:v2+s7+$0x0], $0xffff  }
0x24f: {  	v3 =	vld.idx.msk [tilespmem:v3+s7+$0x0], $0xffff  }
0x250: {  	v4 =	vld.idx.msk [tilespmem:v4+s7+$0x0], $0xffff  }
0x251: {  	v5 =	vld.idx.msk [tilespmem:v5+s7+$0x0], $0xffff  }
0x252: {  	v6 =	vld.idx.msk [tilespmem:v6+s7+$0x0], $0xffff  }
0x253: {  	[tilespmem:s29+$0xFFFFFF90] =	vst v1;
	v8 =	vld.idx.msk [tilespmem:v8+s7+$0x0], $0xffff  }
0x254: {  	v15 =	vld.idx.msk [tilespmem:v15+s7+$0x0], $0xffff;
	[tilespmem:s29+$0xFFFFFFA0] =	vst v2  }
0x255: {  	[tilespmem:s29+$0xFFFFFFB0] =	vst v3;
	v9 =	vld.idx.msk [tilespmem:v9+s7+$0x0], $0xffff  }
0x256: {  	[tilespmem:s29+$0xFFFFFFC0] =	vst v4;
	v1 =	vld.idx.msk [tilespmem:v10+s7+$0x0], $0xffff  }
.Ltmp5:
0x257: {  	[tilespmem:s29+$0xFFFFFFD0] =	vst v5;
	v2 =	vld.idx.msk [tilespmem:v11+s7+$0x0], $0xffff;
	(pc) =	sbr.rel @p0 .LBB2_12-.Ltmp5, $4  }
0x258: {  	[tilespmem:s29+$0xFFFFFFE0] =	vst v6;
	v3 =	vld.idx.msk [tilespmem:v12+s7+$0x0], $0xffff  }
0x259: {  	[tilespmem:s29+$0xFFFFFFF0] =	vst v8;
	v4 =	vld.idx.msk [tilespmem:v13+s7+$0x0], $0xffff  }
0x25a: {  	[tilespmem:s29+$0xFFFFFF80] =	vst v15;
	v5 =	vld.idx.msk [tilespmem:v14+s7+$0x0], $0xffff  }
0x25b: {  	s31 =	sadd.s32 $0x100, s31;
	[tilespmem:s29+$0x0] =	vst v9;
	v6 =	vld.idx.msk [tilespmem:v7+s7+$0x0], $0xffff  }
0x25c: {  	[tilespmem:s29+$0x10] =	vst v1  }
0x25d: {  	[tilespmem:s29+$0x20] =	vst v2  }
0x25e: {  	[tilespmem:s29+$0x30] =	vst v3  }
0x25f: {  	s28 =	sadd.s32 $0x1, s28;
	[tilespmem:s29+$0x40] =	vst v4  }
0x260: {  	p0 =	sne.s32 s28, s17;
	[tilespmem:s29+$0x50] =	vst v5  }
.Ltmp6:
0x261: {  	[tilespmem:s29+$0x60] =	vst v6;
	(pc) =	sbr.rel @p0 .LBB2_1-.Ltmp6, $4  }
0x262: {  	[hbm4b:s16+s18] =	stream.strided.scatter [tilespmem:s24], [sflag:$0x3], $0x2000, s19, s18, $0x38;
	[tilespmem:$0x1ED00] =	vst v63  }
0x263: {  	_ =	swait.ge [sflag:s26], $0x2000  }
0x264: {  	[sflag:s26] =	ssyncset.done $0x0  }
0x265: {  	[sflag:s26] =	ssyncadd.s32 $0xFFFFE000  }
0x266: {  	_ =	sfence.sel $0x180000  }
0x267: {  	[bflag:$0x0] =	sbarrier.arrive $0xFFFF  }
0x268: {  	p0 =	sne.s32 s6, $0x0;
	_ =	strace $0x90000047  }
0x269: {  	s0 =	sadd.s32 @!p0 $0x100000, s0;
	[bflag:$0x2] =	sbarrier.arrive $0xFFFF  }
0x26a: {  	[sflag:s0] =	ssyncadd.tile.s32 @!p0 $0x1;
	_ =	shalt  }
.Lfunc_end2:
_tile_overlayer_lowered:
.L_overlay_start_2:
0x26b: {  	(tag) =	ssettag $0x2  }
0x26c: {  	s0 =	rddreg [dreg:$0x0];
	s2 =	stileid.u32  }
0x26d: {  	s1 =	rddreg [dreg:$0x1];
	p0 =	sne.s32 s2, $0x0  }
0x26e: {  	s3 =	rddreg [dreg:$0x2];
	[bflag:$0x3] =	sbarrier.arrive $0xFFFF;
	s2 =	simm.s32 @!p0 $0x1C04  }
0x26f: {  	[timem:s3], [sflag:s2] =	dma.local @!p0 [hbm:s0], s1  }
0x270: {  	s0 =	simm.s32 @!p0 $0x4  }
0x271: {  	_ =	swait.ge @!p0 [sflag:s0], s1  }
0x272: {  	s1 =	ssub.s32 @!p0 $0x0, s1;
	[sflag:s0] =	ssyncset.done @!p0 $0x0  }
0x273: {  	[sflag:s0] =	ssyncadd.s32 @!p0 s1  }
0x274: {  	[bflag:$0x3] =	sbarrier.arrive $0xFFFF  }
0x275: {  	_ =	shalt  }

</sc_bundles>
